<compile_context>
chip_gen: v7x
topology: tpu7x:2x2x1
jax: 0.10.2.dev20260603
libtpu: 0.0.44.dev20260713+nightly
codegen_flags: <defaults>
</compile_context>

<pallas_src>
import functools

import jax
import jax.numpy as jnp
from jax import lax
from jax.experimental import pallas as pl
from jax.experimental.pallas import tpu as pltpu
from jax.experimental.pallas import tpu_sc as plsc

_NC = 2
_NS = 16
_NW = _NC * _NS
_L = 128


@functools.lru_cache(maxsize=None)
def _make_edge_agg(n_pad, kb, d):
    rpt = n_pad // _NS
    mesh = plsc.VectorSubcoreMesh(core_axis_name="c", subcore_axis_name="s",
                                  num_cores=_NC, num_subcores=_NS)

    @functools.partial(
        pl.kernel,
        out_type=(jax.ShapeDtypeStruct((_NC, n_pad, d), jnp.float32),
                  jax.ShapeDtypeStruct((_NW * n_pad,), jnp.float32)),
        mesh=mesh,
        compiler_params=pltpu.CompilerParams(needs_layout_passes=False),
        scratch_types=(
            pltpu.VMEM((kb, _L), jnp.int32),
            pltpu.VMEM((kb, _L), jnp.int32),
            pltpu.VMEM((_L, d), jnp.float32),
            pltpu.VMEM((n_pad,), jnp.float32),
            pltpu.VMEM_SHARED((n_pad, d), jnp.float32),
            pltpu.SemaphoreType.DMA,
        ),
    )
    def edge_agg(h_hbm, src_hbm, dst_hbm, zrow_hbm, zdeg_hbm,
                 acc_out, deg_out, src_v, dst_v, rows_v, deg_v, acc_sh, sem):
        c = lax.axis_index("c")
        s = lax.axis_index("s")
        wid = s * _NC + c
        pltpu.sync_copy(zrow_hbm.at[pl.ds(s * rpt, rpt)],
                        acc_sh.at[pl.ds(s * rpt, rpt)])
        pltpu.sync_copy(zdeg_hbm, deg_v)
        pltpu.sync_copy(src_hbm.at[wid], src_v)
        pltpu.sync_copy(dst_hbm.at[wid], dst_v)
        plsc.subcore_barrier()

        ones16 = jnp.full((16,), 1.0, jnp.float32)

        def body(j, carry):
            pltpu.async_copy(h_hbm.at[src_v.at[j]], rows_v, sem).wait()
            pltpu.sync_copy(rows_v, acc_sh.at[dst_v.at[j]], add=True)
            for k in range(_L // 16):
                idx16 = dst_v[j, pl.ds(k * 16, 16)]
                plsc.addupdate_scatter(deg_v, [idx16], ones16)
            return carry

        lax.fori_loop(0, kb, body, 0)
        plsc.subcore_barrier()
        pltpu.sync_copy(acc_sh.at[pl.ds(s * rpt, rpt)],
                        acc_out.at[c, pl.ds(s * rpt, rpt)])
        pltpu.sync_copy(deg_v, deg_out.at[pl.ds(wid * n_pad, n_pad)])

    return edge_agg


def _dense_layer_body(x_ref, p0_ref, p1_ref, degp_ref, wroot_ref, wrel_ref,
                      b_ref, h_ref):
    deg = jnp.sum(degp_ref[...], axis=0)
    d = jnp.maximum(deg, 1.0)
    agg = (p0_ref[...] + p1_ref[...]) / d[:, None]
    h = (jnp.dot(x_ref[...], wroot_ref[...], preferred_element_type=jnp.float32)
         + jnp.dot(agg, wrel_ref[...], preferred_element_type=jnp.float32)
         + b_ref[...])
    h_ref[...] = jnp.maximum(h, 0.0)


def _dense_pool_body(n_real, h1_ref, p0_ref, p1_ref, degp_ref, wroot_ref,
                     wrel_ref, b_ref, attw_ref, out_ref):
    deg = jnp.sum(degp_ref[...], axis=0)
    d = jnp.maximum(deg, 1.0)
    agg = (p0_ref[...] + p1_ref[...]) / d[:, None]
    h2 = (jnp.dot(h1_ref[...], wroot_ref[...], preferred_element_type=jnp.float32)
          + jnp.dot(agg, wrel_ref[...], preferred_element_type=jnp.float32)
          + b_ref[...])
    rows = lax.broadcasted_iota(jnp.int32, h2.shape, 0)
    h2 = jnp.where(rows < n_real, h2, 0.0)
    m = jnp.sum(h2, axis=0, keepdims=True) / float(n_real)
    gc = jnp.tanh(jnp.dot(m, attw_ref[...],
                          preferred_element_type=jnp.float32))
    scores = jax.nn.sigmoid(jnp.sum(h2 * gc, axis=1, keepdims=True))
    out_ref[...] = jnp.sum(h2 * scores, axis=0, keepdims=True)


def kernel(x, edge_index, W1_root, W1_rel, b1, W2_root, W2_rel, b2, att_W):
    n, d = x.shape
    e = edge_index.shape[1]
    n_pad = ((n + 1 + 127) // 128) * 128
    kb = -(-e // (_NW * _L))
    e_pad = _NW * _L * kb

    src = edge_index[0]
    dst = edge_index[1]
    pad = e_pad - e
    src_p = jnp.concatenate([src, jnp.zeros((pad,), jnp.int32)]).reshape(_NW, kb, _L)
    dst_p = jnp.concatenate([dst, jnp.full((pad,), n, jnp.int32)]).reshape(_NW, kb, _L)
    xp = jnp.concatenate([x, jnp.zeros((n_pad - n, d), x.dtype)], axis=0)
    zrow = jnp.zeros((n_pad, d), jnp.float32)
    zdeg = jnp.zeros((n_pad,), jnp.float32)

    edge_agg = _make_edge_agg(n_pad, kb, d)

    parts1, degp = edge_agg(xp, src_p, dst_p, zrow, zdeg)
    degp = degp.reshape(_NW, n_pad)
    h1 = pl.pallas_call(
        _dense_layer_body,
        out_shape=jax.ShapeDtypeStruct((n_pad, d), jnp.float32),
    )(xp, parts1[0], parts1[1], degp, W1_root, W1_rel, b1.reshape(1, d))

    parts2, _ = edge_agg(h1, src_p, dst_p, zrow, zdeg)
    pooled = pl.pallas_call(
        functools.partial(_dense_pool_body, n),
        out_shape=jax.ShapeDtypeStruct((1, d), jnp.float32),
    )(h1, parts2[0], parts2[1], degp, W2_root, W2_rel, b2.reshape(1, d), att_W)
    return pooled.reshape(d)

# --- scband reference (transcript-rebuilt; emitter-appended) ---
"""Pipeline reference for scband-graph-embedding-74612171866509 (READ-ONLY COPY).

The authoritative reference and input builder live on the scoring server;
editing this copy changes nothing except your own understanding.
"""

import jax, jax.numpy as jnp
import numpy as np

N = 10000
E = 320000
D = 128
H = 128


def setup_inputs(seed: int = 0) -> dict:
    key = jax.random.key(seed)
    ks = jax.random.split(key, 10)
    x = jax.random.normal(ks[0], (N, D), dtype=jnp.float32)
    edge_index = jax.random.randint(ks[1], (2, E), 0, N, dtype=jnp.int32)
    s1 = 1.0 / np.sqrt(D)
    s2 = 1.0 / np.sqrt(H)
    W1_root = jax.random.normal(ks[2], (D, H), dtype=jnp.float32) * s1
    W1_rel = jax.random.normal(ks[3], (D, H), dtype=jnp.float32) * s1
    b1 = jnp.zeros((H,), dtype=jnp.float32)
    W2_root = jax.random.normal(ks[4], (H, H), dtype=jnp.float32) * s2
    W2_rel = jax.random.normal(ks[5], (H, H), dtype=jnp.float32) * s2
    b2 = jnp.zeros((H,), dtype=jnp.float32)
    att_W = jax.random.normal(ks[6], (H, H), dtype=jnp.float32) * s2
    return {"x": x, "edge_index": edge_index, "W1_root": W1_root, "W1_rel": W1_rel,
            "b1": b1, "W2_root": W2_root, "W2_rel": W2_rel, "b2": b2, "att_W": att_W}


def _rgcn_conv(h, edge_index, W_root, W_rel, b):
    # Single-relation RGCNConv: root transform + mean-aggregated neighbor messages.
    src = edge_index[0]
    dst = edge_index[1]
    msg = jnp.take(h, src, axis=0) @ W_rel            # gather (SparseCore)
    agg = jax.ops.segment_sum(msg, dst, num_segments=N)  # scatter-add
    deg = jax.ops.segment_sum(jnp.ones((E,), h.dtype), dst, num_segments=N)
    agg = agg / jnp.maximum(deg, 1.0)[:, None]
    return h @ W_root + agg + b


def reference(x, edge_index, W1_root, W1_rel, b1, W2_root, W2_rel, b2, att_W):
    # convolutional_pass
    h = _rgcn_conv(x, edge_index, W1_root, W1_rel, b1)
    h = jax.nn.relu(h)
    # dropout is identity in eval mode
    h = _rgcn_conv(h, edge_index, W2_root, W2_rel, b2)
    # SimGNN-style AttentionModule global pooling
    global_context = jnp.tanh(jnp.mean(h @ att_W, axis=0))     # [H]
    sigmoid_scores = jax.nn.sigmoid(h @ global_context)        # [N]
    pooled = jnp.sum(h * sigmoid_scores[:, None], axis=0)      # [H]
    return pooled

if __name__ == "__main__":
    import jax
    _d = setup_inputs()
    print(jax.jit(kernel)(*tuple(_d.values())))

</pallas_src>

<mosaic_0001>
#map = affine_map<(d0, d1) -> (0, 0)>
#map1 = affine_map<(d0, d1) -> (0, 0, 0)>
#map2 = affine_map<(d0, d1) -> (0)>
module attributes {stable_mosaic.version = 14 : i64} {
  func.func @edge_agg(%arg0: i32, %arg1: i32, %arg2: memref<10112x128xf32, #tpu.memory_space<hbm>>, %arg3: memref<32x79x128xi32, #tpu.memory_space<hbm>>, %arg4: memref<32x79x128xi32, #tpu.memory_space<hbm>>, %arg5: memref<10112x128xf32, #tpu.memory_space<hbm>>, %arg6: memref<10112xf32, #tpu.memory_space<hbm>>, %arg7: memref<2x10112x128xf32, #tpu.memory_space<hbm>>, %arg8: memref<323584xf32, #tpu.memory_space<hbm>>, %arg9: memref<79x128xi32, #tpu.memory_space<vmem>>, %arg10: memref<79x128xi32, #tpu.memory_space<vmem>>, %arg11: memref<128x128xf32, #tpu.memory_space<vmem>>, %arg12: memref<10112xf32, #tpu.memory_space<vmem>>, %arg13: memref<10112x128xf32, #tpu.memory_space<vmem_shared>>, %arg14: memref<!tpu.dma_semaphore, #tpu.memory_space<semaphore_mem>>) attributes {dimension_semantics = [#tpu.dimension_semantics<core_parallel>, #tpu.dimension_semantics<subcore_parallel>], iteration_bounds = array<i64: 2, 16>, scalar_prefetch = 0 : i64, scratch_operands = 6 : i64, tpu.core_type = #tpu.core_type<sc_vector_subcore>, window_params = [{transform_indices = #map}, {transform_indices = #map1}, {transform_indices = #map1}, {transform_indices = #map}, {transform_indices = #map2}, {transform_indices = #map1}, {transform_indices = #map2}]} {
    %mul3A = arith.constant 2 : i32
    %mul3A_0 = arith.muli %arg1, %mul3A : i32
    %add3A = arith.addi %mul3A_0, %arg0 : i32
    %mul3A_1 = arith.constant 632 : i32
    %mul3A_2 = arith.muli %arg1, %mul3A_1 : i32
    %mul3A_3 = arith.constant 632 : i32
    %mul3A_4 = arith.muli %arg1, %mul3A_3 : i32
    "tpu.region"() ({
      %run_scoped3A = tpu.sem_alloc : memref<!tpu.dma_semaphore, #tpu.memory_space<semaphore_mem>>
      %dma_start3A = arith.constant 0 : i32
      %dma_start3A_18 = tpu.memref_slice %arg13[%mul3A_4, %dma_start3A] : memref<10112x128xf32, #tpu.memory_space<vmem_shared>> -> memref<632x128xf32, #tpu.memory_space<vmem_shared>>
      %dma_start3A_19 = arith.constant 0 : i32
      %dma_start3A_20 = tpu.memref_slice %arg5[%mul3A_2, %dma_start3A_19] : memref<10112x128xf32, #tpu.memory_space<hbm>> -> memref<632x128xf32, #tpu.memory_space<hbm>>
      tpu.enqueue_dma source(%dma_start3A_20 : memref<632x128xf32, #tpu.memory_space<hbm>>) target(%dma_start3A_18 : memref<632x128xf32, #tpu.memory_space<vmem_shared>>) target_semaphore(%run_scoped3A : memref<!tpu.dma_semaphore, #tpu.memory_space<semaphore_mem>>)
      %dma_wait3A = arith.constant 0 : i32
      %dma_wait3A_21 = tpu.memref_slice %arg13[%mul3A_4, %dma_wait3A] : memref<10112x128xf32, #tpu.memory_space<vmem_shared>> -> memref<632x128xf32, #tpu.memory_space<vmem_shared>>
      %dma_wait3A_22 = arith.constant 0 : i32
      %dma_wait3A_23 = tpu.memref_slice %arg5[%mul3A_2, %dma_wait3A_22] : memref<10112x128xf32, #tpu.memory_space<hbm>> -> memref<632x128xf32, #tpu.memory_space<hbm>>
      tpu.wait_dma2 semaphore(%run_scoped3A : memref<!tpu.dma_semaphore, #tpu.memory_space<semaphore_mem>>) src(%dma_wait3A_23 : memref<632x128xf32, #tpu.memory_space<hbm>>) dst(%dma_wait3A_21 : memref<632x128xf32, #tpu.memory_space<vmem_shared>>)
      tpu.yield
    }) : () -> ()
    "tpu.region"() ({
      %run_scoped3A = tpu.sem_alloc : memref<!tpu.dma_semaphore, #tpu.memory_space<semaphore_mem>>
      tpu.enqueue_dma source(%arg6 : memref<10112xf32, #tpu.memory_space<hbm>>) target(%arg12 : memref<10112xf32, #tpu.memory_space<vmem>>) target_semaphore(%run_scoped3A : memref<!tpu.dma_semaphore, #tpu.memory_space<semaphore_mem>>)
      tpu.wait_dma2 semaphore(%run_scoped3A : memref<!tpu.dma_semaphore, #tpu.memory_space<semaphore_mem>>) src(%arg6 : memref<10112xf32, #tpu.memory_space<hbm>>) dst(%arg12 : memref<10112xf32, #tpu.memory_space<vmem>>)
      tpu.yield
    }) : () -> ()
    "tpu.region"() ({
      %run_scoped3A = tpu.sem_alloc : memref<!tpu.dma_semaphore, #tpu.memory_space<semaphore_mem>>
      %dma_start3A = arith.constant 0 : i32
      %dma_start3A_18 = arith.constant 0 : i32
      %dma_start3A_19 = tpu.memref_slice %arg3[%add3A, %dma_start3A, %dma_start3A_18] : memref<32x79x128xi32, #tpu.memory_space<hbm>> -> memref<1x79x128xi32, #tpu.memory_space<hbm>>
      %dma_start3A_20 = tpu.memref_squeeze %dma_start3A_19 : memref<1x79x128xi32, #tpu.memory_space<hbm>> -> memref<79x128xi32, #tpu.memory_space<hbm>>
      %dma_start3A_21 = arith.constant 0 : i32
      %dma_start3A_22 = arith.constant 0 : i32
      %dma_start3A_23 = tpu.memref_slice %arg3[%add3A, %dma_start3A_21, %dma_start3A_22] : memref<32x79x128xi32, #tpu.memory_space<hbm>> -> memref<1x79x128xi32, #tpu.memory_space<hbm>>
      %dma_start3A_24 = tpu.memref_squeeze %dma_start3A_23 : memref<1x79x128xi32, #tpu.memory_space<hbm>> -> memref<79x128xi32, #tpu.memory_space<hbm>>
      tpu.enqueue_dma source(%dma_start3A_24 : memref<79x128xi32, #tpu.memory_space<hbm>>) target(%arg9 : memref<79x128xi32, #tpu.memory_space<vmem>>) target_semaphore(%run_scoped3A : memref<!tpu.dma_semaphore, #tpu.memory_space<semaphore_mem>>)
      %dma_wait3A = arith.constant 0 : i32
      %dma_wait3A_25 = arith.constant 0 : i32
      %dma_wait3A_26 = tpu.memref_slice %arg3[%add3A, %dma_wait3A, %dma_wait3A_25] : memref<32x79x128xi32, #tpu.memory_space<hbm>> -> memref<1x79x128xi32, #tpu.memory_space<hbm>>
      %dma_wait3A_27 = tpu.memref_squeeze %dma_wait3A_26 : memref<1x79x128xi32, #tpu.memory_space<hbm>> -> memref<79x128xi32, #tpu.memory_space<hbm>>
      %dma_wait3A_28 = arith.constant 0 : i32
      %dma_wait3A_29 = arith.constant 0 : i32
      %dma_wait3A_30 = tpu.memref_slice %arg3[%add3A, %dma_wait3A_28, %dma_wait3A_29] : memref<32x79x128xi32, #tpu.memory_space<hbm>> -> memref<1x79x128xi32, #tpu.memory_space<hbm>>
      %dma_wait3A_31 = tpu.memref_squeeze %dma_wait3A_30 : memref<1x79x128xi32, #tpu.memory_space<hbm>> -> memref<79x128xi32, #tpu.memory_space<hbm>>
      tpu.wait_dma2 semaphore(%run_scoped3A : memref<!tpu.dma_semaphore, #tpu.memory_space<semaphore_mem>>) src(%dma_wait3A_31 : memref<79x128xi32, #tpu.memory_space<hbm>>) dst(%arg9 : memref<79x128xi32, #tpu.memory_space<vmem>>)
      tpu.yield
    }) : () -> ()
    "tpu.region"() ({
      %run_scoped3A = tpu.sem_alloc : memref<!tpu.dma_semaphore, #tpu.memory_space<semaphore_mem>>
      %dma_start3A = arith.constant 0 : i32
      %dma_start3A_18 = arith.constant 0 : i32
      %dma_start3A_19 = tpu.memref_slice %arg4[%add3A, %dma_start3A, %dma_start3A_18] : memref<32x79x128xi32, #tpu.memory_space<hbm>> -> memref<1x79x128xi32, #tpu.memory_space<hbm>>
      %dma_start3A_20 = tpu.memref_squeeze %dma_start3A_19 : memref<1x79x128xi32, #tpu.memory_space<hbm>> -> memref<79x128xi32, #tpu.memory_space<hbm>>
      %dma_start3A_21 = arith.constant 0 : i32
      %dma_start3A_22 = arith.constant 0 : i32
      %dma_start3A_23 = tpu.memref_slice %arg4[%add3A, %dma_start3A_21, %dma_start3A_22] : memref<32x79x128xi32, #tpu.memory_space<hbm>> -> memref<1x79x128xi32, #tpu.memory_space<hbm>>
      %dma_start3A_24 = tpu.memref_squeeze %dma_start3A_23 : memref<1x79x128xi32, #tpu.memory_space<hbm>> -> memref<79x128xi32, #tpu.memory_space<hbm>>
      tpu.enqueue_dma source(%dma_start3A_24 : memref<79x128xi32, #tpu.memory_space<hbm>>) target(%arg10 : memref<79x128xi32, #tpu.memory_space<vmem>>) target_semaphore(%run_scoped3A : memref<!tpu.dma_semaphore, #tpu.memory_space<semaphore_mem>>)
      %dma_wait3A = arith.constant 0 : i32
      %dma_wait3A_25 = arith.constant 0 : i32
      %dma_wait3A_26 = tpu.memref_slice %arg4[%add3A, %dma_wait3A, %dma_wait3A_25] : memref<32x79x128xi32, #tpu.memory_space<hbm>> -> memref<1x79x128xi32, #tpu.memory_space<hbm>>
      %dma_wait3A_27 = tpu.memref_squeeze %dma_wait3A_26 : memref<1x79x128xi32, #tpu.memory_space<hbm>> -> memref<79x128xi32, #tpu.memory_space<hbm>>
      %dma_wait3A_28 = arith.constant 0 : i32
      %dma_wait3A_29 = arith.constant 0 : i32
      %dma_wait3A_30 = tpu.memref_slice %arg4[%add3A, %dma_wait3A_28, %dma_wait3A_29] : memref<32x79x128xi32, #tpu.memory_space<hbm>> -> memref<1x79x128xi32, #tpu.memory_space<hbm>>
      %dma_wait3A_31 = tpu.memref_squeeze %dma_wait3A_30 : memref<1x79x128xi32, #tpu.memory_space<hbm>> -> memref<79x128xi32, #tpu.memory_space<hbm>>
      tpu.wait_dma2 semaphore(%run_scoped3A : memref<!tpu.dma_semaphore, #tpu.memory_space<semaphore_mem>>) src(%dma_wait3A_31 : memref<79x128xi32, #tpu.memory_space<hbm>>) dst(%arg10 : memref<79x128xi32, #tpu.memory_space<vmem>>)
      tpu.yield
    }) : () -> ()
    %barrier3A = arith.constant 0 : index
    tpu.barrier barrier_id(%barrier3A)
    %broadcast_in_dim3A = arith.constant 1.000000e+00 : f32
    %broadcast_in_dim3A_5 = vector.broadcast %broadcast_in_dim3A : f32 to vector<16xf32>
    %scan3A = arith.constant 0 : i32
    %scan3A_6 = arith.constant 0 : i32
    %scan3A_7 = arith.constant 79 : i32
    %scan3A_8 = arith.addi %scan3A_6, %scan3A_7 : i32
    %scan3A_9 = arith.constant 1 : i32
    scf.for %scan3A_18 = %scan3A_6 to %scan3A_8 step %scan3A_9  : i32 {
      %dma_start3A = arith.constant 0 : i32
      %dma_start3A_19 = tpu.memref_slice %arg9[%scan3A_18, %dma_start3A] : memref<79x128xi32, #tpu.memory_space<vmem>> -> memref<1x128xi32, #tpu.memory_space<vmem>>
      %dma_start3A_20 = tpu.memref_squeeze %dma_start3A_19 : memref<1x128xi32, #tpu.memory_space<vmem>> -> memref<128xi32, #tpu.memory_space<vmem>>
      %dma_start3A_21 = arith.constant 0 : i32
      %dma_start3A_22 = arith.constant 0 : i32
      %dma_start3A_23 = tpu.memref_slice %arg2[%dma_start3A_21, %dma_start3A_22] : memref<10112x128xf32, #tpu.memory_space<hbm>> -> memref<10112x128xf32, #tpu.memory_space<hbm>>
      tpu.enqueue_indirect_dma source(%dma_start3A_23 : memref<10112x128xf32, #tpu.memory_space<hbm>>) target(%arg11 : memref<128x128xf32, #tpu.memory_space<vmem>>) offsets(%dma_start3A_20 : memref<128xi32, #tpu.memory_space<vmem>>) semaphore(%arg14 : memref<!tpu.dma_semaphore, #tpu.memory_space<semaphore_mem>>)
      %dma_wait3A = arith.constant 0 : i32
      %dma_wait3A_24 = tpu.memref_slice %arg9[%scan3A_18, %dma_wait3A] : memref<79x128xi32, #tpu.memory_space<vmem>> -> memref<1x128xi32, #tpu.memory_space<vmem>>
      %dma_wait3A_25 = tpu.memref_squeeze %dma_wait3A_24 : memref<1x128xi32, #tpu.memory_space<vmem>> -> memref<128xi32, #tpu.memory_space<vmem>>
      %dma_wait3A_26 = arith.constant 0 : i32
      %dma_wait3A_27 = arith.constant 0 : i32
      %dma_wait3A_28 = tpu.memref_slice %arg2[%dma_wait3A_26, %dma_wait3A_27] : memref<10112x128xf32, #tpu.memory_space<hbm>> -> memref<10112x128xf32, #tpu.memory_space<hbm>>
      tpu.wait_indirect_dma semaphore(%arg14 : memref<!tpu.dma_semaphore, #tpu.memory_space<semaphore_mem>>) src(%dma_wait3A_28 : memref<10112x128xf32, #tpu.memory_space<hbm>>) dst(%arg11 : memref<128x128xf32, #tpu.memory_space<vmem>>)
      "tpu.region"() ({
        %run_scoped3A = tpu.sem_alloc : memref<!tpu.dma_semaphore, #tpu.memory_space<semaphore_mem>>
        %dma_start3A_52 = arith.constant 0 : i32
        %dma_start3A_53 = tpu.memref_slice %arg10[%scan3A_18, %dma_start3A_52] : memref<79x128xi32, #tpu.memory_space<vmem>> -> memref<1x128xi32, #tpu.memory_space<vmem>>
        %dma_start3A_54 = tpu.memref_squeeze %dma_start3A_53 : memref<1x128xi32, #tpu.memory_space<vmem>> -> memref<128xi32, #tpu.memory_space<vmem>>
        %dma_start3A_55 = arith.constant 0 : i32
        %dma_start3A_56 = arith.constant 0 : i32
        %dma_start3A_57 = tpu.memref_slice %arg13[%dma_start3A_55, %dma_start3A_56] : memref<10112x128xf32, #tpu.memory_space<vmem_shared>> -> memref<10112x128xf32, #tpu.memory_space<vmem_shared>>
        tpu.enqueue_indirect_dma source(%arg11 : memref<128x128xf32, #tpu.memory_space<vmem>>) target(%dma_start3A_57 : memref<10112x128xf32, #tpu.memory_space<vmem_shared>>) offsets(%dma_start3A_54 : memref<128xi32, #tpu.memory_space<vmem>>) semaphore(%run_scoped3A : memref<!tpu.dma_semaphore, #tpu.memory_space<semaphore_mem>>) {add = true}
        %dma_wait3A_58 = arith.constant 0 : i32
        %dma_wait3A_59 = tpu.memref_slice %arg10[%scan3A_18, %dma_wait3A_58] : memref<79x128xi32, #tpu.memory_space<vmem>> -> memref<1x128xi32, #tpu.memory_space<vmem>>
        %dma_wait3A_60 = tpu.memref_squeeze %dma_wait3A_59 : memref<1x128xi32, #tpu.memory_space<vmem>> -> memref<128xi32, #tpu.memory_space<vmem>>
        %dma_wait3A_61 = arith.constant 0 : i32
        %dma_wait3A_62 = arith.constant 0 : i32
        %dma_wait3A_63 = tpu.memref_slice %arg13[%dma_wait3A_61, %dma_wait3A_62] : memref<10112x128xf32, #tpu.memory_space<vmem_shared>> -> memref<10112x128xf32, #tpu.memory_space<vmem_shared>>
        tpu.wait_indirect_dma semaphore(%run_scoped3A : memref<!tpu.dma_semaphore, #tpu.memory_space<semaphore_mem>>) src(%arg11 : memref<128x128xf32, #tpu.memory_space<vmem>>) dst(%dma_wait3A_63 : memref<10112x128xf32, #tpu.memory_space<vmem_shared>>)
        tpu.yield
      }) : () -> ()
      %get3A = arith.index_cast %scan3A_18 : i32 to index
      %get3A_29 = arith.constant 0 : index
      %get3A_30 = tpu.vector_load %arg10[%get3A, %get3A_29] {strides = array<i32>} : memref<79x128xi32, #tpu.memory_space<vmem>>, vector<16xi32>,
      tpu.vector_store_idx %arg12[%get3A_30], %broadcast_in_dim3A_5 {add = true} : memref<10112xf32, #tpu.memory_space<vmem>>[vector<16xi32>], vector<16xf32>,
      %get3A_31 = arith.index_cast %scan3A_18 : i32 to index
      %get3A_32 = arith.constant 16 : index
      %get3A_33 = tpu.vector_load %arg10[%get3A_31, %get3A_32] {strides = array<i32>} : memref<79x128xi32, #tpu.memory_space<vmem>>, vector<16xi32>,
      tpu.vector_store_idx %arg12[%get3A_33], %broadcast_in_dim3A_5 {add = true} : memref<10112xf32, #tpu.memory_space<vmem>>[vector<16xi32>], vector<16xf32>,
      %get3A_34 = arith.index_cast %scan3A_18 : i32 to index
      %get3A_35 = arith.constant 32 : index
      %get3A_36 = tpu.vector_load %arg10[%get3A_34, %get3A_35] {strides = array<i32>} : memref<79x128xi32, #tpu.memory_space<vmem>>, vector<16xi32>,
      tpu.vector_store_idx %arg12[%get3A_36], %broadcast_in_dim3A_5 {add = true} : memref<10112xf32, #tpu.memory_space<vmem>>[vector<16xi32>], vector<16xf32>,
      %get3A_37 = arith.index_cast %scan3A_18 : i32 to index
      %get3A_38 = arith.constant 48 : index
      %get3A_39 = tpu.vector_load %arg10[%get3A_37, %get3A_38] {strides = array<i32>} : memref<79x128xi32, #tpu.memory_space<vmem>>, vector<16xi32>,
      tpu.vector_store_idx %arg12[%get3A_39], %broadcast_in_dim3A_5 {add = true} : memref<10112xf32, #tpu.memory_space<vmem>>[vector<16xi32>], vector<16xf32>,
      %get3A_40 = arith.index_cast %scan3A_18 : i32 to index
      %get3A_41 = arith.constant 64 : index
      %get3A_42 = tpu.vector_load %arg10[%get3A_40, %get3A_41] {strides = array<i32>} : memref<79x128xi32, #tpu.memory_space<vmem>>, vector<16xi32>,
      tpu.vector_store_idx %arg12[%get3A_42], %broadcast_in_dim3A_5 {add = true} : memref<10112xf32, #tpu.memory_space<vmem>>[vector<16xi32>], vector<16xf32>,
      %get3A_43 = arith.index_cast %scan3A_18 : i32 to index
      %get3A_44 = arith.constant 80 : index
      %get3A_45 = tpu.vector_load %arg10[%get3A_43, %get3A_44] {strides = array<i32>} : memref<79x128xi32, #tpu.memory_space<vmem>>, vector<16xi32>,
      tpu.vector_store_idx %arg12[%get3A_45], %broadcast_in_dim3A_5 {add = true} : memref<10112xf32, #tpu.memory_space<vmem>>[vector<16xi32>], vector<16xf32>,
      %get3A_46 = arith.index_cast %scan3A_18 : i32 to index
      %get3A_47 = arith.constant 96 : index
      %get3A_48 = tpu.vector_load %arg10[%get3A_46, %get3A_47] {strides = array<i32>} : memref<79x128xi32, #tpu.memory_space<vmem>>, vector<16xi32>,
      tpu.vector_store_idx %arg12[%get3A_48], %broadcast_in_dim3A_5 {add = true} : memref<10112xf32, #tpu.memory_space<vmem>>[vector<16xi32>], vector<16xf32>,
      %get3A_49 = arith.index_cast %scan3A_18 : i32 to index
      %get3A_50 = arith.constant 112 : index
      %get3A_51 = tpu.vector_load %arg10[%get3A_49, %get3A_50] {strides = array<i32>} : memref<79x128xi32, #tpu.memory_space<vmem>>, vector<16xi32>,
      tpu.vector_store_idx %arg12[%get3A_51], %broadcast_in_dim3A_5 {add = true} : memref<10112xf32, #tpu.memory_space<vmem>>[vector<16xi32>], vector<16xf32>,
    }
    %scan3A_10 = arith.constant 79 : i32
    %barrier3A_11 = arith.constant 0 : index
    tpu.barrier barrier_id(%barrier3A_11)
    %mul3A_12 = arith.constant 632 : i32
    %mul3A_13 = arith.muli %arg1, %mul3A_12 : i32
    %mul3A_14 = arith.constant 632 : i32
    %mul3A_15 = arith.muli %arg1, %mul3A_14 : i32
    "tpu.region"() ({
      %run_scoped3A = tpu.sem_alloc : memref<!tpu.dma_semaphore, #tpu.memory_space<semaphore_mem>>
      %dma_start3A = arith.constant 0 : i32
      %dma_start3A_18 = tpu.memref_slice %arg7[%arg0, %mul3A_15, %dma_start3A] : memref<2x10112x128xf32, #tpu.memory_space<hbm>> -> memref<1x632x128xf32, #tpu.memory_space<hbm>>
      %dma_start3A_19 = tpu.memref_squeeze %dma_start3A_18 : memref<1x632x128xf32, #tpu.memory_space<hbm>> -> memref<632x128xf32, #tpu.memory_space<hbm>>
      %dma_start3A_20 = arith.constant 0 : i32
      %dma_start3A_21 = tpu.memref_slice %arg13[%mul3A_13, %dma_start3A_20] : memref<10112x128xf32, #tpu.memory_space<vmem_shared>> -> memref<632x128xf32, #tpu.memory_space<vmem_shared>>
      tpu.enqueue_dma source(%dma_start3A_21 : memref<632x128xf32, #tpu.memory_space<vmem_shared>>) target(%dma_start3A_19 : memref<632x128xf32, #tpu.memory_space<hbm>>) target_semaphore(%run_scoped3A : memref<!tpu.dma_semaphore, #tpu.memory_space<semaphore_mem>>)
      %dma_wait3A = arith.constant 0 : i32
      %dma_wait3A_22 = tpu.memref_slice %arg7[%arg0, %mul3A_15, %dma_wait3A] : memref<2x10112x128xf32, #tpu.memory_space<hbm>> -> memref<1x632x128xf32, #tpu.memory_space<hbm>>
      %dma_wait3A_23 = tpu.memref_squeeze %dma_wait3A_22 : memref<1x632x128xf32, #tpu.memory_space<hbm>> -> memref<632x128xf32, #tpu.memory_space<hbm>>
      %dma_wait3A_24 = arith.constant 0 : i32
      %dma_wait3A_25 = tpu.memref_slice %arg13[%mul3A_13, %dma_wait3A_24] : memref<10112x128xf32, #tpu.memory_space<vmem_shared>> -> memref<632x128xf32, #tpu.memory_space<vmem_shared>>
      tpu.wait_dma2 semaphore(%run_scoped3A : memref<!tpu.dma_semaphore, #tpu.memory_space<semaphore_mem>>) src(%dma_wait3A_25 : memref<632x128xf32, #tpu.memory_space<vmem_shared>>) dst(%dma_wait3A_23 : memref<632x128xf32, #tpu.memory_space<hbm>>)
      tpu.yield
    }) : () -> ()
    %mul3A_16 = arith.constant 10112 : i32
    %mul3A_17 = arith.muli %add3A, %mul3A_16 : i32
    "tpu.region"() ({
      %run_scoped3A = tpu.sem_alloc : memref<!tpu.dma_semaphore, #tpu.memory_space<semaphore_mem>>
      %dma_start3A = tpu.memref_slice %arg8[%mul3A_17] : memref<323584xf32, #tpu.memory_space<hbm>> -> memref<10112xf32, #tpu.memory_space<hbm>>
      %dma_start3A_18 = tpu.memref_slice %arg8[%mul3A_17] : memref<323584xf32, #tpu.memory_space<hbm>> -> memref<10112xf32, #tpu.memory_space<hbm>>
      tpu.enqueue_dma source(%arg12 : memref<10112xf32, #tpu.memory_space<vmem>>) target(%dma_start3A_18 : memref<10112xf32, #tpu.memory_space<hbm>>) target_semaphore(%run_scoped3A : memref<!tpu.dma_semaphore, #tpu.memory_space<semaphore_mem>>)
      %dma_wait3A = tpu.memref_slice %arg8[%mul3A_17] : memref<323584xf32, #tpu.memory_space<hbm>> -> memref<10112xf32, #tpu.memory_space<hbm>>
      %dma_wait3A_19 = tpu.memref_slice %arg8[%mul3A_17] : memref<323584xf32, #tpu.memory_space<hbm>> -> memref<10112xf32, #tpu.memory_space<hbm>>
      tpu.wait_dma2 semaphore(%run_scoped3A : memref<!tpu.dma_semaphore, #tpu.memory_space<semaphore_mem>>) src(%arg12 : memref<10112xf32, #tpu.memory_space<vmem>>) dst(%dma_wait3A_19 : memref<10112xf32, #tpu.memory_space<hbm>>)
      tpu.yield
    }) : () -> ()
    return
  }
}

#map = affine_map<(d0, d1) -> (0, 0)>
#map1 = affine_map<(d0, d1) -> (0, 0, 0)>
#map2 = affine_map<(d0, d1) -> (0)>
module attributes {stable_mosaic.version = 14 : i64} {
  func.func @edge_agg(%arg0: i32, %arg1: i32, %arg2: memref<10112x128xf32, #tpu.memory_space<hbm>>, %arg3: memref<32x79x128xi32, #tpu.memory_space<hbm>>, %arg4: memref<32x79x128xi32, #tpu.memory_space<hbm>>, %arg5: memref<10112x128xf32, #tpu.memory_space<hbm>>, %arg6: memref<10112xf32, #tpu.memory_space<hbm>>, %arg7: memref<2x10112x128xf32, #tpu.memory_space<hbm>>, %arg8: memref<323584xf32, #tpu.memory_space<hbm>>, %arg9: memref<79x128xi32, #tpu.memory_space<vmem>>, %arg10: memref<79x128xi32, #tpu.memory_space<vmem>>, %arg11: memref<128x128xf32, #tpu.memory_space<vmem>>, %arg12: memref<10112xf32, #tpu.memory_space<vmem>>, %arg13: memref<10112x128xf32, #tpu.memory_space<vmem_shared>>, %arg14: memref<!tpu.dma_semaphore, #tpu.memory_space<semaphore_mem>>) attributes {dimension_semantics = [#tpu.dimension_semantics<core_parallel>, #tpu.dimension_semantics<subcore_parallel>], iteration_bounds = array<i64: 2, 16>, scalar_prefetch = 0 : i64, scratch_operands = 6 : i64, tpu.core_type = #tpu.core_type<sc_vector_subcore>, window_params = [{transform_indices = #map}, {transform_indices = #map1}, {transform_indices = #map1}, {transform_indices = #map}, {transform_indices = #map2}, {transform_indices = #map1}, {transform_indices = #map2}]} {
    %mul3A = arith.constant 2 : i32
    %mul3A_0 = arith.muli %arg1, %mul3A : i32
    %add3A = arith.addi %mul3A_0, %arg0 : i32
    %mul3A_1 = arith.constant 632 : i32
    %mul3A_2 = arith.muli %arg1, %mul3A_1 : i32
    %mul3A_3 = arith.constant 632 : i32
    %mul3A_4 = arith.muli %arg1, %mul3A_3 : i32
    "tpu.region"() ({
      %run_scoped3A = tpu.sem_alloc : memref<!tpu.dma_semaphore, #tpu.memory_space<semaphore_mem>>
      %dma_start3A = arith.constant 0 : i32
      %dma_start3A_18 = tpu.memref_slice %arg13[%mul3A_4, %dma_start3A] : memref<10112x128xf32, #tpu.memory_space<vmem_shared>> -> memref<632x128xf32, #tpu.memory_space<vmem_shared>>
      %dma_start3A_19 = arith.constant 0 : i32
      %dma_start3A_20 = tpu.memref_slice %arg5[%mul3A_2, %dma_start3A_19] : memref<10112x128xf32, #tpu.memory_space<hbm>> -> memref<632x128xf32, #tpu.memory_space<hbm>>
      tpu.enqueue_dma source(%dma_start3A_20 : memref<632x128xf32, #tpu.memory_space<hbm>>) target(%dma_start3A_18 : memref<632x128xf32, #tpu.memory_space<vmem_shared>>) target_semaphore(%run_scoped3A : memref<!tpu.dma_semaphore, #tpu.memory_space<semaphore_mem>>)
      %dma_wait3A = arith.constant 0 : i32
      %dma_wait3A_21 = tpu.memref_slice %arg13[%mul3A_4, %dma_wait3A] : memref<10112x128xf32, #tpu.memory_space<vmem_shared>> -> memref<632x128xf32, #tpu.memory_space<vmem_shared>>
      %dma_wait3A_22 = arith.constant 0 : i32
      %dma_wait3A_23 = tpu.memref_slice %arg5[%mul3A_2, %dma_wait3A_22] : memref<10112x128xf32, #tpu.memory_space<hbm>> -> memref<632x128xf32, #tpu.memory_space<hbm>>
      tpu.wait_dma2 semaphore(%run_scoped3A : memref<!tpu.dma_semaphore, #tpu.memory_space<semaphore_mem>>) src(%dma_wait3A_23 : memref<632x128xf32, #tpu.memory_space<hbm>>) dst(%dma_wait3A_21 : memref<632x128xf32, #tpu.memory_space<vmem_shared>>)
      tpu.yield
    }) : () -> ()
    "tpu.region"() ({
      %run_scoped3A = tpu.sem_alloc : memref<!tpu.dma_semaphore, #tpu.memory_space<semaphore_mem>>
      tpu.enqueue_dma source(%arg6 : memref<10112xf32, #tpu.memory_space<hbm>>) target(%arg12 : memref<10112xf32, #tpu.memory_space<vmem>>) target_semaphore(%run_scoped3A : memref<!tpu.dma_semaphore, #tpu.memory_space<semaphore_mem>>)
      tpu.wait_dma2 semaphore(%run_scoped3A : memref<!tpu.dma_semaphore, #tpu.memory_space<semaphore_mem>>) src(%arg6 : memref<10112xf32, #tpu.memory_space<hbm>>) dst(%arg12 : memref<10112xf32, #tpu.memory_space<vmem>>)
      tpu.yield
    }) : () -> ()
    "tpu.region"() ({
      %run_scoped3A = tpu.sem_alloc : memref<!tpu.dma_semaphore, #tpu.memory_space<semaphore_mem>>
      %dma_start3A = arith.constant 0 : i32
      %dma_start3A_18 = arith.constant 0 : i32
      %dma_start3A_19 = tpu.memref_slice %arg3[%add3A, %dma_start3A, %dma_start3A_18] : memref<32x79x128xi32, #tpu.memory_space<hbm>> -> memref<1x79x128xi32, #tpu.memory_space<hbm>>
      %dma_start3A_20 = tpu.memref_squeeze %dma_start3A_19 : memref<1x79x128xi32, #tpu.memory_space<hbm>> -> memref<79x128xi32, #tpu.memory_space<hbm>>
      %dma_start3A_21 = arith.constant 0 : i32
      %dma_start3A_22 = arith.constant 0 : i32
      %dma_start3A_23 = tpu.memref_slice %arg3[%add3A, %dma_start3A_21, %dma_start3A_22] : memref<32x79x128xi32, #tpu.memory_space<hbm>> -> memref<1x79x128xi32, #tpu.memory_space<hbm>>
      %dma_start3A_24 = tpu.memref_squeeze %dma_start3A_23 : memref<1x79x128xi32, #tpu.memory_space<hbm>> -> memref<79x128xi32, #tpu.memory_space<hbm>>
      tpu.enqueue_dma source(%dma_start3A_24 : memref<79x128xi32, #tpu.memory_space<hbm>>) target(%arg9 : memref<79x128xi32, #tpu.memory_space<vmem>>) target_semaphore(%run_scoped3A : memref<!tpu.dma_semaphore, #tpu.memory_space<semaphore_mem>>)
      %dma_wait3A = arith.constant 0 : i32
      %dma_wait3A_25 = arith.constant 0 : i32
      %dma_wait3A_26 = tpu.memref_slice %arg3[%add3A, %dma_wait3A, %dma_wait3A_25] : memref<32x79x128xi32, #tpu.memory_space<hbm>> -> memref<1x79x128xi32, #tpu.memory_space<hbm>>
      %dma_wait3A_27 = tpu.memref_squeeze %dma_wait3A_26 : memref<1x79x128xi32, #tpu.memory_space<hbm>> -> memref<79x128xi32, #tpu.memory_space<hbm>>
      %dma_wait3A_28 = arith.constant 0 : i32
      %dma_wait3A_29 = arith.constant 0 : i32
      %dma_wait3A_30 = tpu.memref_slice %arg3[%add3A, %dma_wait3A_28, %dma_wait3A_29] : memref<32x79x128xi32, #tpu.memory_space<hbm>> -> memref<1x79x128xi32, #tpu.memory_space<hbm>>
      %dma_wait3A_31 = tpu.memref_squeeze %dma_wait3A_30 : memref<1x79x128xi32, #tpu.memory_space<hbm>> -> memref<79x128xi32, #tpu.memory_space<hbm>>
      tpu.wait_dma2 semaphore(%run_scoped3A : memref<!tpu.dma_semaphore, #tpu.memory_space<semaphore_mem>>) src(%dma_wait3A_31 : memref<79x128xi32, #tpu.memory_space<hbm>>) dst(%arg9 : memref<79x128xi32, #tpu.memory_space<vmem>>)
      tpu.yield
    }) : () -> ()
    "tpu.region"() ({
      %run_scoped3A = tpu.sem_alloc : memref<!tpu.dma_semaphore, #tpu.memory_space<semaphore_mem>>
      %dma_start3A = arith.constant 0 : i32
      %dma_start3A_18 = arith.constant 0 : i32
      %dma_start3A_19 = tpu.memref_slice %arg4[%add3A, %dma_start3A, %dma_start3A_18] : memref<32x79x128xi32, #tpu.memory_space<hbm>> -> memref<1x79x128xi32, #tpu.memory_space<hbm>>
      %dma_start3A_20 = tpu.memref_squeeze %dma_start3A_19 : memref<1x79x128xi32, #tpu.memory_space<hbm>> -> memref<79x128xi32, #tpu.memory_space<hbm>>
      %dma_start3A_21 = arith.constant 0 : i32
      %dma_start3A_22 = arith.constant 0 : i32
      %dma_start3A_23 = tpu.memref_slice %arg4[%add3A, %dma_start3A_21, %dma_start3A_22] : memref<32x79x128xi32, #tpu.memory_space<hbm>> -> memref<1x79x128xi32, #tpu.memory_space<hbm>>
      %dma_start3A_24 = tpu.memref_squeeze %dma_start3A_23 : memref<1x79x128xi32, #tpu.memory_space<hbm>> -> memref<79x128xi32, #tpu.memory_space<hbm>>
      tpu.enqueue_dma source(%dma_start3A_24 : memref<79x128xi32, #tpu.memory_space<hbm>>) target(%arg10 : memref<79x128xi32, #tpu.memory_space<vmem>>) target_semaphore(%run_scoped3A : memref<!tpu.dma_semaphore, #tpu.memory_space<semaphore_mem>>)
      %dma_wait3A = arith.constant 0 : i32
      %dma_wait3A_25 = arith.constant 0 : i32
      %dma_wait3A_26 = tpu.memref_slice %arg4[%add3A, %dma_wait3A, %dma_wait3A_25] : memref<32x79x128xi32, #tpu.memory_space<hbm>> -> memref<1x79x128xi32, #tpu.memory_space<hbm>>
      %dma_wait3A_27 = tpu.memref_squeeze %dma_wait3A_26 : memref<1x79x128xi32, #tpu.memory_space<hbm>> -> memref<79x128xi32, #tpu.memory_space<hbm>>
      %dma_wait3A_28 = arith.constant 0 : i32
      %dma_wait3A_29 = arith.constant 0 : i32
      %dma_wait3A_30 = tpu.memref_slice %arg4[%add3A, %dma_wait3A_28, %dma_wait3A_29] : memref<32x79x128xi32, #tpu.memory_space<hbm>> -> memref<1x79x128xi32, #tpu.memory_space<hbm>>
      %dma_wait3A_31 = tpu.memref_squeeze %dma_wait3A_30 : memref<1x79x128xi32, #tpu.memory_space<hbm>> -> memref<79x128xi32, #tpu.memory_space<hbm>>
      tpu.wait_dma2 semaphore(%run_scoped3A : memref<!tpu.dma_semaphore, #tpu.memory_space<semaphore_mem>>) src(%dma_wait3A_31 : memref<79x128xi32, #tpu.memory_space<hbm>>) dst(%arg10 : memref<79x128xi32, #tpu.memory_space<vmem>>)
      tpu.yield
    }) : () -> ()
    %barrier3A = arith.constant 0 : index
    tpu.barrier barrier_id(%barrier3A)
    %broadcast_in_dim3A = arith.constant 1.000000e+00 : f32
    %broadcast_in_dim3A_5 = vector.broadcast %broadcast_in_dim3A : f32 to vector<16xf32>
    %scan3A = arith.constant 0 : i32
    %scan3A_6 = arith.constant 0 : i32
    %scan3A_7 = arith.constant 79 : i32
    %scan3A_8 = arith.addi %scan3A_6, %scan3A_7 : i32
    %scan3A_9 = arith.constant 1 : i32
    scf.for %scan3A_18 = %scan3A_6 to %scan3A_8 step %scan3A_9  : i32 {
      %dma_start3A = arith.constant 0 : i32
      %dma_start3A_19 = tpu.memref_slice %arg9[%scan3A_18, %dma_start3A] : memref<79x128xi32, #tpu.memory_space<vmem>> -> memref<1x128xi32, #tpu.memory_space<vmem>>
      %dma_start3A_20 = tpu.memref_squeeze %dma_start3A_19 : memref<1x128xi32, #tpu.memory_space<vmem>> -> memref<128xi32, #tpu.memory_space<vmem>>
      %dma_start3A_21 = arith.constant 0 : i32
      %dma_start3A_22 = arith.constant 0 : i32
      %dma_start3A_23 = tpu.memref_slice %arg2[%dma_start3A_21, %dma_start3A_22] : memref<10112x128xf32, #tpu.memory_space<hbm>> -> memref<10112x128xf32, #tpu.memory_space<hbm>>
      tpu.enqueue_indirect_dma source(%dma_start3A_23 : memref<10112x128xf32, #tpu.memory_space<hbm>>) target(%arg11 : memref<128x128xf32, #tpu.memory_space<vmem>>) offsets(%dma_start3A_20 : memref<128xi32, #tpu.memory_space<vmem>>) semaphore(%arg14 : memref<!tpu.dma_semaphore, #tpu.memory_space<semaphore_mem>>)
      %dma_wait3A = arith.constant 0 : i32
      %dma_wait3A_24 = tpu.memref_slice %arg9[%scan3A_18, %dma_wait3A] : memref<79x128xi32, #tpu.memory_space<vmem>> -> memref<1x128xi32, #tpu.memory_space<vmem>>
      %dma_wait3A_25 = tpu.memref_squeeze %dma_wait3A_24 : memref<1x128xi32, #tpu.memory_space<vmem>> -> memref<128xi32, #tpu.memory_space<vmem>>
      %dma_wait3A_26 = arith.constant 0 : i32
      %dma_wait3A_27 = arith.constant 0 : i32
      %dma_wait3A_28 = tpu.memref_slice %arg2[%dma_wait3A_26, %dma_wait3A_27] : memref<10112x128xf32, #tpu.memory_space<hbm>> -> memref<10112x128xf32, #tpu.memory_space<hbm>>
      tpu.wait_indirect_dma semaphore(%arg14 : memref<!tpu.dma_semaphore, #tpu.memory_space<semaphore_mem>>) src(%dma_wait3A_28 : memref<10112x128xf32, #tpu.memory_space<hbm>>) dst(%arg11 : memref<128x128xf32, #tpu.memory_space<vmem>>)
      "tpu.region"() ({
        %run_scoped3A = tpu.sem_alloc : memref<!tpu.dma_semaphore, #tpu.memory_space<semaphore_mem>>
        %dma_start3A_52 = arith.constant 0 : i32
        %dma_start3A_53 = tpu.memref_slice %arg10[%scan3A_18, %dma_start3A_52] : memref<79x128xi32, #tpu.memory_space<vmem>> -> memref<1x128xi32, #tpu.memory_space<vmem>>
        %dma_start3A_54 = tpu.memref_squeeze %dma_start3A_53 : memref<1x128xi32, #tpu.memory_space<vmem>> -> memref<128xi32, #tpu.memory_space<vmem>>
        %dma_start3A_55 = arith.constant 0 : i32
        %dma_start3A_56 = arith.constant 0 : i32
        %dma_start3A_57 = tpu.memref_slice %arg13[%dma_start3A_55, %dma_start3A_56] : memref<10112x128xf32, #tpu.memory_space<vmem_shared>> -> memref<10112x128xf32, #tpu.memory_space<vmem_shared>>
        tpu.enqueue_indirect_dma source(%arg11 : memref<128x128xf32, #tpu.memory_space<vmem>>) target(%dma_start3A_57 : memref<10112x128xf32, #tpu.memory_space<vmem_shared>>) offsets(%dma_start3A_54 : memref<128xi32, #tpu.memory_space<vmem>>) semaphore(%run_scoped3A : memref<!tpu.dma_semaphore, #tpu.memory_space<semaphore_mem>>) {add = true}
        %dma_wait3A_58 = arith.constant 0 : i32
        %dma_wait3A_59 = tpu.memref_slice %arg10[%scan3A_18, %dma_wait3A_58] : memref<79x128xi32, #tpu.memory_space<vmem>> -> memref<1x128xi32, #tpu.memory_space<vmem>>
        %dma_wait3A_60 = tpu.memref_squeeze %dma_wait3A_59 : memref<1x128xi32, #tpu.memory_space<vmem>> -> memref<128xi32, #tpu.memory_space<vmem>>
        %dma_wait3A_61 = arith.constant 0 : i32
        %dma_wait3A_62 = arith.constant 0 : i32
        %dma_wait3A_63 = tpu.memref_slice %arg13[%dma_wait3A_61, %dma_wait3A_62] : memref<10112x128xf32, #tpu.memory_space<vmem_shared>> -> memref<10112x128xf32, #tpu.memory_space<vmem_shared>>
        tpu.wait_indirect_dma semaphore(%run_scoped3A : memref<!tpu.dma_semaphore, #tpu.memory_space<semaphore_mem>>) src(%arg11 : memref<128x128xf32, #tpu.memory_space<vmem>>) dst(%dma_wait3A_63 : memref<10112x128xf32, #tpu.memory_space<vmem_shared>>)
        tpu.yield
      }) : () -> ()
      %get3A = arith.index_cast %scan3A_18 : i32 to index
      %get3A_29 = arith.constant 0 : index
      %get3A_30 = tpu.vector_load %arg10[%get3A, %get3A_29] {strides = array<i32>} : memref<79x128xi32, #tpu.memory_space<vmem>>, vector<16xi32>,
      tpu.vector_store_idx %arg12[%get3A_30], %broadcast_in_dim3A_5 {add = true} : memref<10112xf32, #tpu.memory_space<vmem>>[vector<16xi32>], vector<16xf32>,
      %get3A_31 = arith.index_cast %scan3A_18 : i32 to index
      %get3A_32 = arith.constant 16 : index
      %get3A_33 = tpu.vector_load %arg10[%get3A_31, %get3A_32] {strides = array<i32>} : memref<79x128xi32, #tpu.memory_space<vmem>>, vector<16xi32>,
      tpu.vector_store_idx %arg12[%get3A_33], %broadcast_in_dim3A_5 {add = true} : memref<10112xf32, #tpu.memory_space<vmem>>[vector<16xi32>], vector<16xf32>,
      %get3A_34 = arith.index_cast %scan3A_18 : i32 to index
      %get3A_35 = arith.constant 32 : index
      %get3A_36 = tpu.vector_load %arg10[%get3A_34, %get3A_35] {strides = array<i32>} : memref<79x128xi32, #tpu.memory_space<vmem>>, vector<16xi32>,
      tpu.vector_store_idx %arg12[%get3A_36], %broadcast_in_dim3A_5 {add = true} : memref<10112xf32, #tpu.memory_space<vmem>>[vector<16xi32>], vector<16xf32>,
      %get3A_37 = arith.index_cast %scan3A_18 : i32 to index
      %get3A_38 = arith.constant 48 : index
      %get3A_39 = tpu.vector_load %arg10[%get3A_37, %get3A_38] {strides = array<i32>} : memref<79x128xi32, #tpu.memory_space<vmem>>, vector<16xi32>,
      tpu.vector_store_idx %arg12[%get3A_39], %broadcast_in_dim3A_5 {add = true} : memref<10112xf32, #tpu.memory_space<vmem>>[vector<16xi32>], vector<16xf32>,
      %get3A_40 = arith.index_cast %scan3A_18 : i32 to index
      %get3A_41 = arith.constant 64 : index
      %get3A_42 = tpu.vector_load %arg10[%get3A_40, %get3A_41] {strides = array<i32>} : memref<79x128xi32, #tpu.memory_space<vmem>>, vector<16xi32>,
      tpu.vector_store_idx %arg12[%get3A_42], %broadcast_in_dim3A_5 {add = true} : memref<10112xf32, #tpu.memory_space<vmem>>[vector<16xi32>], vector<16xf32>,
      %get3A_43 = arith.index_cast %scan3A_18 : i32 to index
      %get3A_44 = arith.constant 80 : index
      %get3A_45 = tpu.vector_load %arg10[%get3A_43, %get3A_44] {strides = array<i32>} : memref<79x128xi32, #tpu.memory_space<vmem>>, vector<16xi32>,
      tpu.vector_store_idx %arg12[%get3A_45], %broadcast_in_dim3A_5 {add = true} : memref<10112xf32, #tpu.memory_space<vmem>>[vector<16xi32>], vector<16xf32>,
      %get3A_46 = arith.index_cast %scan3A_18 : i32 to index
      %get3A_47 = arith.constant 96 : index
      %get3A_48 = tpu.vector_load %arg10[%get3A_46, %get3A_47] {strides = array<i32>} : memref<79x128xi32, #tpu.memory_space<vmem>>, vector<16xi32>,
      tpu.vector_store_idx %arg12[%get3A_48], %broadcast_in_dim3A_5 {add = true} : memref<10112xf32, #tpu.memory_space<vmem>>[vector<16xi32>], vector<16xf32>,
      %get3A_49 = arith.index_cast %scan3A_18 : i32 to index
      %get3A_50 = arith.constant 112 : index
      %get3A_51 = tpu.vector_load %arg10[%get3A_49, %get3A_50] {strides = array<i32>} : memref<79x128xi32, #tpu.memory_space<vmem>>, vector<16xi32>,
      tpu.vector_store_idx %arg12[%get3A_51], %broadcast_in_dim3A_5 {add = true} : memref<10112xf32, #tpu.memory_space<vmem>>[vector<16xi32>], vector<16xf32>,
    }
    %scan3A_10 = arith.constant 79 : i32
    %barrier3A_11 = arith.constant 0 : index
    tpu.barrier barrier_id(%barrier3A_11)
    %mul3A_12 = arith.constant 632 : i32
    %mul3A_13 = arith.muli %arg1, %mul3A_12 : i32
    %mul3A_14 = arith.constant 632 : i32
    %mul3A_15 = arith.muli %arg1, %mul3A_14 : i32
    "tpu.region"() ({
      %run_scoped3A = tpu.sem_alloc : memref<!tpu.dma_semaphore, #tpu.memory_space<semaphore_mem>>
      %dma_start3A = arith.constant 0 : i32
      %dma_start3A_18 = tpu.memref_slice %arg7[%arg0, %mul3A_15, %dma_start3A] : memref<2x10112x128xf32, #tpu.memory_space<hbm>> -> memref<1x632x128xf32, #tpu.memory_space<hbm>>
      %dma_start3A_19 = tpu.memref_squeeze %dma_start3A_18 : memref<1x632x128xf32, #tpu.memory_space<hbm>> -> memref<632x128xf32, #tpu.memory_space<hbm>>
      %dma_start3A_20 = arith.constant 0 : i32
      %dma_start3A_21 = tpu.memref_slice %arg13[%mul3A_13, %dma_start3A_20] : memref<10112x128xf32, #tpu.memory_space<vmem_shared>> -> memref<632x128xf32, #tpu.memory_space<vmem_shared>>
      tpu.enqueue_dma source(%dma_start3A_21 : memref<632x128xf32, #tpu.memory_space<vmem_shared>>) target(%dma_start3A_19 : memref<632x128xf32, #tpu.memory_space<hbm>>) target_semaphore(%run_scoped3A : memref<!tpu.dma_semaphore, #tpu.memory_space<semaphore_mem>>)
      %dma_wait3A = arith.constant 0 : i32
      %dma_wait3A_22 = tpu.memref_slice %arg7[%arg0, %mul3A_15, %dma_wait3A] : memref<2x10112x128xf32, #tpu.memory_space<hbm>> -> memref<1x632x128xf32, #tpu.memory_space<hbm>>
      %dma_wait3A_23 = tpu.memref_squeeze %dma_wait3A_22 : memref<1x632x128xf32, #tpu.memory_space<hbm>> -> memref<632x128xf32, #tpu.memory_space<hbm>>
      %dma_wait3A_24 = arith.constant 0 : i32
      %dma_wait3A_25 = tpu.memref_slice %arg13[%mul3A_13, %dma_wait3A_24] : memref<10112x128xf32, #tpu.memory_space<vmem_shared>> -> memref<632x128xf32, #tpu.memory_space<vmem_shared>>
      tpu.wait_dma2 semaphore(%run_scoped3A : memref<!tpu.dma_semaphore, #tpu.memory_space<semaphore_mem>>) src(%dma_wait3A_25 : memref<632x128xf32, #tpu.memory_space<vmem_shared>>) dst(%dma_wait3A_23 : memref<632x128xf32, #tpu.memory_space<hbm>>)
      tpu.yield
    }) : () -> ()
    %mul3A_16 = arith.constant 10112 : i32
    %mul3A_17 = arith.muli %add3A, %mul3A_16 : i32
    "tpu.region"() ({
      %run_scoped3A = tpu.sem_alloc : memref<!tpu.dma_semaphore, #tpu.memory_space<semaphore_mem>>
      %dma_start3A = tpu.memref_slice %arg8[%mul3A_17] : memref<323584xf32, #tpu.memory_space<hbm>> -> memref<10112xf32, #tpu.memory_space<hbm>>
      %dma_start3A_18 = tpu.memref_slice %arg8[%mul3A_17] : memref<323584xf32, #tpu.memory_space<hbm>> -> memref<10112xf32, #tpu.memory_space<hbm>>
      tpu.enqueue_dma source(%arg12 : memref<10112xf32, #tpu.memory_space<vmem>>) target(%dma_start3A_18 : memref<10112xf32, #tpu.memory_space<hbm>>) target_semaphore(%run_scoped3A : memref<!tpu.dma_semaphore, #tpu.memory_space<semaphore_mem>>)
      %dma_wait3A = tpu.memref_slice %arg8[%mul3A_17] : memref<323584xf32, #tpu.memory_space<hbm>> -> memref<10112xf32, #tpu.memory_space<hbm>>
      %dma_wait3A_19 = tpu.memref_slice %arg8[%mul3A_17] : memref<323584xf32, #tpu.memory_space<hbm>> -> memref<10112xf32, #tpu.memory_space<hbm>>
      tpu.wait_dma2 semaphore(%run_scoped3A : memref<!tpu.dma_semaphore, #tpu.memory_space<semaphore_mem>>) src(%arg12 : memref<10112xf32, #tpu.memory_space<vmem>>) dst(%dma_wait3A_19 : memref<10112xf32, #tpu.memory_space<hbm>>)
      tpu.yield
    }) : () -> ()
    return
  }
}

module attributes {stable_mosaic.version = 14 : i64} {
  func.func @_dense_layer_body(%arg0: memref<10112x128xf32, #tpu.memory_space<vmem>>, %arg1: memref<10112x128xf32, #tpu.memory_space<vmem>>, %arg2: memref<10112x128xf32, #tpu.memory_space<vmem>>, %arg3: memref<32x10112xf32, #tpu.memory_space<vmem>>, %arg4: memref<128x128xf32, #tpu.memory_space<vmem>>, %arg5: memref<128x128xf32, #tpu.memory_space<vmem>>, %arg6: memref<1x128xf32, #tpu.memory_space<vmem>>, %arg7: memref<10112x128xf32, #tpu.memory_space<vmem>>) attributes {dimension_semantics = [], scalar_prefetch = 0 : i64, scratch_operands = 0 : i64, tpu.core_type = #tpu.core_type<tc>} {
    %get3A = arith.constant 0 : index
    %get3A_0 = arith.constant 0 : index
    %get3A_1 = vector.load %arg3[%get3A, %get3A_0] : memref<32x10112xf32, #tpu.memory_space<vmem>>, vector<32x10112xf32>
    %reduce_sum3A = arith.constant dense<0.000000e+00> : vector<10112xf32>
    %reduce_sum3A_2 = vector.multi_reduction <add>, %get3A_1, %reduce_sum3A [0] : vector<32x10112xf32> to vector<10112xf32>
    %max3A = arith.constant 1.000000e+00 : f32
    %max3A_3 = vector.broadcast %max3A : f32 to vector<10112xf32>
    %max3A_4 = arith.maximumf %reduce_sum3A_2, %max3A_3 : vector<10112xf32>
    %get3A_5 = arith.constant 0 : index
    %get3A_6 = arith.constant 0 : index
    %get3A_7 = vector.load %arg1[%get3A_5, %get3A_6] : memref<10112x128xf32, #tpu.memory_space<vmem>>, vector<10112x128xf32>
    %get3A_8 = arith.constant 0 : index
    %get3A_9 = arith.constant 0 : index
    %get3A_10 = vector.load %arg2[%get3A_8, %get3A_9] : memref<10112x128xf32, #tpu.memory_space<vmem>>, vector<10112x128xf32>
    %add3A = arith.addf %get3A_7, %get3A_10 : vector<10112x128xf32>
    %broadcast_in_dim3A = vector.shape_cast %max3A_4 : vector<10112xf32> to vector<10112x1xf32>
    %div3A = vector.broadcast %broadcast_in_dim3A : vector<10112x1xf32> to vector<10112x128xf32>
    %div3A_11 = arith.divf %add3A, %div3A : vector<10112x128xf32>
    %get3A_12 = arith.constant 0 : index
    %get3A_13 = arith.constant 0 : index
    %get3A_14 = vector.load %arg0[%get3A_12, %get3A_13] : memref<10112x128xf32, #tpu.memory_space<vmem>>, vector<10112x128xf32>
    %get3A_15 = arith.constant 0 : index
    %get3A_16 = arith.constant 0 : index
    %get3A_17 = vector.load %arg4[%get3A_15, %get3A_16] : memref<128x128xf32, #tpu.memory_space<vmem>>, vector<128x128xf32>
    %dot_general3A = arith.constant dense<0.000000e+00> : vector<10112x128xf32>
    %dot_general3A_18 = tpu.matmul %get3A_14, %get3A_17, %dot_general3A {dimension_numbers = #tpu.dot_dimension_numbers<[1], [0], [0], [1], [0, 0, 1, 1], [], []>, transpose_lhs_hint = false} : vector<10112x128xf32>, vector<128x128xf32>, vector<10112x128xf32> -> vector<10112x128xf32>
    %get3A_19 = arith.constant 0 : index
    %get3A_20 = arith.constant 0 : index
    %get3A_21 = vector.load %arg5[%get3A_19, %get3A_20] : memref<128x128xf32, #tpu.memory_space<vmem>>, vector<128x128xf32>
    %dot_general3A_22 = arith.constant dense<0.000000e+00> : vector<10112x128xf32>
    %dot_general3A_23 = tpu.matmul %div3A_11, %get3A_21, %dot_general3A_22 {dimension_numbers = #tpu.dot_dimension_numbers<[1], [0], [0], [1], [0, 0, 1, 1], [], []>, transpose_lhs_hint = false} : vector<10112x128xf32>, vector<128x128xf32>, vector<10112x128xf32> -> vector<10112x128xf32>
    %add3A_24 = arith.addf %dot_general3A_18, %dot_general3A_23 : vector<10112x128xf32>
    %get3A_25 = arith.constant 0 : index
    %get3A_26 = arith.constant 0 : index
    %get3A_27 = vector.load %arg6[%get3A_25, %get3A_26] : memref<1x128xf32, #tpu.memory_space<vmem>>, vector<1x128xf32>
    %add3A_28 = vector.broadcast %get3A_27 : vector<1x128xf32> to vector<10112x128xf32>
    %add3A_29 = arith.addf %add3A_24, %add3A_28 : vector<10112x128xf32>
    %max3A_30 = arith.constant 0.000000e+00 : f32
    %max3A_31 = vector.broadcast %max3A_30 : f32 to vector<10112x128xf32>
    %max3A_32 = arith.maximumf %add3A_29, %max3A_31 : vector<10112x128xf32>
    %swap3A = arith.constant 0 : index
    %swap3A_33 = arith.constant 0 : index
    %swap3A_34 = vector.load %arg7[%swap3A, %swap3A_33] : memref<10112x128xf32, #tpu.memory_space<vmem>>, vector<10112x128xf32>
    tpu.vector_store %arg7[%swap3A, %swap3A_33], %max3A_32 {strides = array<i32>} : memref<10112x128xf32, #tpu.memory_space<vmem>>, vector<10112x128xf32>,
    return
  }
}

module attributes {stable_mosaic.version = 14 : i64} {
  func.func @_dense_pool_body(%arg0: memref<10112x128xf32, #tpu.memory_space<vmem>>, %arg1: memref<10112x128xf32, #tpu.memory_space<vmem>>, %arg2: memref<10112x128xf32, #tpu.memory_space<vmem>>, %arg3: memref<32x10112xf32, #tpu.memory_space<vmem>>, %arg4: memref<128x128xf32, #tpu.memory_space<vmem>>, %arg5: memref<128x128xf32, #tpu.memory_space<vmem>>, %arg6: memref<1x128xf32, #tpu.memory_space<vmem>>, %arg7: memref<128x128xf32, #tpu.memory_space<vmem>>, %arg8: memref<1x128xf32, #tpu.memory_space<vmem>>) attributes {dimension_semantics = [], scalar_prefetch = 0 : i64, scratch_operands = 0 : i64, tpu.core_type = #tpu.core_type<tc>} {
    %get3A = arith.constant 0 : index
    %get3A_0 = arith.constant 0 : index
    %get3A_1 = vector.load %arg3[%get3A, %get3A_0] : memref<32x10112xf32, #tpu.memory_space<vmem>>, vector<32x10112xf32>
    %reduce_sum3A = arith.constant dense<0.000000e+00> : vector<10112xf32>
    %reduce_sum3A_2 = vector.multi_reduction <add>, %get3A_1, %reduce_sum3A [0] : vector<32x10112xf32> to vector<10112xf32>
    %max3A = arith.constant 1.000000e+00 : f32
    %max3A_3 = vector.broadcast %max3A : f32 to vector<10112xf32>
    %max3A_4 = arith.maximumf %reduce_sum3A_2, %max3A_3 : vector<10112xf32>
    %get3A_5 = arith.constant 0 : index
    %get3A_6 = arith.constant 0 : index
    %get3A_7 = vector.load %arg1[%get3A_5, %get3A_6] : memref<10112x128xf32, #tpu.memory_space<vmem>>, vector<10112x128xf32>
    %get3A_8 = arith.constant 0 : index
    %get3A_9 = arith.constant 0 : index
    %get3A_10 = vector.load %arg2[%get3A_8, %get3A_9] : memref<10112x128xf32, #tpu.memory_space<vmem>>, vector<10112x128xf32>
    %add3A = arith.addf %get3A_7, %get3A_10 : vector<10112x128xf32>
    %broadcast_in_dim3A = vector.shape_cast %max3A_4 : vector<10112xf32> to vector<10112x1xf32>
    %div3A = vector.broadcast %broadcast_in_dim3A : vector<10112x1xf32> to vector<10112x128xf32>
    %div3A_11 = arith.divf %add3A, %div3A : vector<10112x128xf32>
    %get3A_12 = arith.constant 0 : index
    %get3A_13 = arith.constant 0 : index
    %get3A_14 = vector.load %arg0[%get3A_12, %get3A_13] : memref<10112x128xf32, #tpu.memory_space<vmem>>, vector<10112x128xf32>
    %get3A_15 = arith.constant 0 : index
    %get3A_16 = arith.constant 0 : index
    %get3A_17 = vector.load %arg4[%get3A_15, %get3A_16] : memref<128x128xf32, #tpu.memory_space<vmem>>, vector<128x128xf32>
    %dot_general3A = arith.constant dense<0.000000e+00> : vector<10112x128xf32>
    %dot_general3A_18 = tpu.matmul %get3A_14, %get3A_17, %dot_general3A {dimension_numbers = #tpu.dot_dimension_numbers<[1], [0], [0], [1], [0, 0, 1, 1], [], []>, transpose_lhs_hint = false} : vector<10112x128xf32>, vector<128x128xf32>, vector<10112x128xf32> -> vector<10112x128xf32>
    %get3A_19 = arith.constant 0 : index
    %get3A_20 = arith.constant 0 : index
    %get3A_21 = vector.load %arg5[%get3A_19, %get3A_20] : memref<128x128xf32, #tpu.memory_space<vmem>>, vector<128x128xf32>
    %dot_general3A_22 = arith.constant dense<0.000000e+00> : vector<10112x128xf32>
    %dot_general3A_23 = tpu.matmul %div3A_11, %get3A_21, %dot_general3A_22 {dimension_numbers = #tpu.dot_dimension_numbers<[1], [0], [0], [1], [0, 0, 1, 1], [], []>, transpose_lhs_hint = false} : vector<10112x128xf32>, vector<128x128xf32>, vector<10112x128xf32> -> vector<10112x128xf32>
    %add3A_24 = arith.addf %dot_general3A_18, %dot_general3A_23 : vector<10112x128xf32>
    %get3A_25 = arith.constant 0 : index
    %get3A_26 = arith.constant 0 : index
    %get3A_27 = vector.load %arg6[%get3A_25, %get3A_26] : memref<1x128xf32, #tpu.memory_space<vmem>>, vector<1x128xf32>
    %add3A_28 = vector.broadcast %get3A_27 : vector<1x128xf32> to vector<10112x128xf32>
    %add3A_29 = arith.addf %add3A_24, %add3A_28 : vector<10112x128xf32>
    %iota3A = tpu.iota {dimensions = array<i32: 0>} : vector<10112x128xi32>
    %lt3A = arith.constant 10000 : i32
    %lt3A_30 = vector.broadcast %lt3A : i32 to vector<10112x128xi32>
    %lt3A_31 = arith.cmpi slt, %iota3A, %lt3A_30 : vector<10112x128xi32>
    %jit3A = arith.constant 0.000000e+00 : f32
    %broadcast_in_dim3A_32 = vector.broadcast %jit3A : f32 to vector<10112x128xf32>
    %select_n3A = arith.select %lt3A_31, %add3A_29, %broadcast_in_dim3A_32 : vector<10112x128xi1>, vector<10112x128xf32>
    %reduce_sum3A_33 = arith.constant dense<0.000000e+00> : vector<128xf32>
    %reduce_sum3A_34 = vector.multi_reduction <add>, %select_n3A, %reduce_sum3A_33 [0] : vector<10112x128xf32> to vector<128xf32>
    %broadcast_in_dim3A_35 = vector.shape_cast %reduce_sum3A_34 : vector<128xf32> to vector<1x128xf32>
    %div3A_36 = arith.constant 1.000000e+04 : f32
    %div3A_37 = vector.broadcast %div3A_36 : f32 to vector<1x128xf32>
    %div3A_38 = arith.divf %broadcast_in_dim3A_35, %div3A_37 : vector<1x128xf32>
    %get3A_39 = arith.constant 0 : index
    %get3A_40 = arith.constant 0 : index
    %get3A_41 = vector.load %arg7[%get3A_39, %get3A_40] : memref<128x128xf32, #tpu.memory_space<vmem>>, vector<128x128xf32>
    %dot_general3A_42 = arith.constant dense<0.000000e+00> : vector<1x128xf32>
    %dot_general3A_43 = tpu.matmul %div3A_38, %get3A_41, %dot_general3A_42 {dimension_numbers = #tpu.dot_dimension_numbers<[1], [0], [0], [1], [0, 0, 1, 1], [], []>, transpose_lhs_hint = false} : vector<1x128xf32>, vector<128x128xf32>, vector<1x128xf32> -> vector<1x128xf32>
    %tanh3A = math.tanh %dot_general3A_43 : vector<1x128xf32>
    %mul3A = vector.broadcast %tanh3A : vector<1x128xf32> to vector<10112x128xf32>
    %mul3A_44 = arith.mulf %select_n3A, %mul3A : vector<10112x128xf32>
    %reduce_sum3A_45 = arith.constant dense<0.000000e+00> : vector<10112xf32>
    %reduce_sum3A_46 = vector.multi_reduction <add>, %mul3A_44, %reduce_sum3A_45 [1] : vector<10112x128xf32> to vector<10112xf32>
    %broadcast_in_dim3A_47 = vector.shape_cast %reduce_sum3A_46 : vector<10112xf32> to vector<10112x1xf32>
    %logistic3A = arith.negf %broadcast_in_dim3A_47 : vector<10112x1xf32>
    %logistic3A_48 = math.exp %logistic3A : vector<10112x1xf32>
    %logistic3A_49 = arith.constant 1.000000e+00 : f32
    %logistic3A_50 = vector.broadcast %logistic3A_49 : f32 to vector<10112x1xf32>
    %logistic3A_51 = arith.addf %logistic3A_50, %logistic3A_48 : vector<10112x1xf32>
    %logistic3A_52 = arith.divf %logistic3A_50, %logistic3A_51 : vector<10112x1xf32>
    %mul3A_53 = vector.broadcast %logistic3A_52 : vector<10112x1xf32> to vector<10112x128xf32>
    %mul3A_54 = arith.mulf %select_n3A, %mul3A_53 : vector<10112x128xf32>
    %reduce_sum3A_55 = arith.constant dense<0.000000e+00> : vector<128xf32>
    %reduce_sum3A_56 = vector.multi_reduction <add>, %mul3A_54, %reduce_sum3A_55 [0] : vector<10112x128xf32> to vector<128xf32>
    %broadcast_in_dim3A_57 = vector.shape_cast %reduce_sum3A_56 : vector<128xf32> to vector<1x128xf32>
    %swap3A = arith.constant 0 : index
    %swap3A_58 = arith.constant 0 : index
    %swap3A_59 = vector.load %arg8[%swap3A, %swap3A_58] : memref<1x128xf32, #tpu.memory_space<vmem>>, vector<1x128xf32>
    tpu.vector_store %arg8[%swap3A, %swap3A_58], %broadcast_in_dim3A_57 {strides = array<i32>} : memref<1x128xf32, #tpu.memory_space<vmem>>, vector<1x128xf32>,
    return
  }
}

</mosaic_0001>

<sc_bundles>
// kernel: kernel.6.cloned.1.call-start
scs
__scs_entry_jumppad:
0x0: {  	(pc) =	sbr.rel $0x88, $3  }
0x1: {  	(tag) =	ssettag $0x0;
	lr =	simm.s32 $0x1  }
0x2: {  	[smem:$0x3F98] =	sst lr;
	_ =	strace $0xD0000000  }
0x3: {  	_ = 	snop  }
0x4: {  	_ = 	snop  }
0x5: {  	_ = 	snop  }
0x6: {  	_ = 	snop  }
0x7: {  	_ = 	snop  }
__scs_overlays_trampoline_lowered:
0x8: {  	[smem:$0x3FA7] =	sst s0  }
0x9: {  	[smem:$0x3FA8] =	sst s1  }
0xa: {  	[smem:$0x3FA9] =	sst s2  }
0xb: {  	[smem:$0x3FAA] =	sst s3  }
0xc: {  	[smem:$0x3FAB] =	sst s4  }
0xd: {  	[smem:$0x3FAC] =	sst s5  }
0xe: {  	[smem:$0x3FAD] =	sst s6  }
0xf: {  	[smem:$0x3FAE] =	sst s7  }
0x10: {  	[smem:$0x3FAF] =	sst s8  }
0x11: {  	[smem:$0x3FB0] =	sst s9;
	s0 =	simm.s32 @!p0 $0x0  }
0x12: {  	s1 =	sld [smem:$0x3F96];
	s0 =	simm.s32 @p0 $0x1  }
0x13: {  	[smem:$0x3FB1] =	sst s0;
	s0 =	simm.s32 @!p1 $0x0  }
0x14: {  	s2 =	sld [smem:$0x3F95];
	s0 =	simm.s32 @p1 $0x1  }
0x15: {  	[smem:$0x3FB2] =	sst s0;
	s0 =	simm.s32 @!p2 $0x0  }
0x16: {  	s3 =	sld [smem:$0x3FDB];
	s0 =	simm.s32 @p2 $0x1  }
0x17: {  	s4 =	simm.s32 $0x1BF5;
	[smem:$0x3FB4] =	sst s0  }
0x18: {  	s0 =	sld [smem:$0x3F97];
	_ =	swait.ge [sflag:s4], $0x0  }
0x19: {  	s7 =	sld [smem:$0x3F98]  }
0x1a: {  	s8 =	sadd.s32 $0xFFFFE003, lr  }
0x1b: {  	s9 =	sadd.s32 $0xFFFFFEF7, lr;
	s5 =	simm.s32 $0xFFFFFFFF;
	p2 =	slt.u32 s8, $0xFFFFF086  }
0x1c: {  	p1 =	slt.u32 s9, $0xF7A;
	s5 =	simm.s32 @!p2 $0x0  }
0x1d: {  	s5 =	simm.s32 @p1 $0x1;
	p0 =	seq.s32 s7, s2  }
0x1e: {  	s7 =	smul.u32 @!p0 $0xF7A, s2;
	p2 =	seq.s32 @!p0 s5, $0x0  }
0x1f: {  	s9 =	smul.u32 $0xF7A, s1;
	s8 =	simm.s32 @!p0 $0x1BF5;
	p2 =	por !p2, p0  }
0x20: {  	[sflag:s8] =	ssyncset.s32 @!p0 $0xFFFFF086;
	s6 =	sadd.s32 @!p0 s3, s7;
	s7 =	simm.s32 @!p0 $0x108  }
0x21: {  	s3 =	sadd.s32 s3, s9;
	s6 =	sadd.s32 @!p0 $0x88, s6;
	s7 =	simm.s32 @p2 $0x1082  }
0x22: {  	[simem:s7], [sflag:s8] =	dma.local @!p0 [hbm:s6], $0xF7A  }
0x23: {  	s9 =	sor.u32 $0xD0000000, s2;
	s6 =	simm.s32 $0x108;
	_ =	swait.ge @!p0 [sflag:s8], $0x0  }
0x24: {  	s3 =	sadd.s32 $0x88, s3;
	s6 =	simm.s32 @!p1 $0x1082;
	[sflag:s4] =	ssyncset.s32 $0xFFFFF086  }
0x25: {  	[simem:s6], [sflag:s4] =	dma.local [hbm:s3], $0xF7A  }
0x26: {  	[smem:$0x3F98] =	sst s1;
	(tag) =	ssettag s2;
	_ =	strace s9  }
0x27: {  	s1 =	sld [smem:$0x3FA8]  }
0x28: {  	s2 =	sld [smem:$0x3FA9]  }
0x29: {  	s4 =	sld [smem:$0x3FAB]  }
0x2a: {  	p0 =	seq.s32 s5, $0x0;
	s5 =	sld [smem:$0x3FAC]  }
0x2b: {  	s6 =	sld [smem:$0x3FAD]  }
0x2c: {  	s7 =	sld [smem:$0x3FAE]  }
0x2d: {  	s3 =	simm.s32 $0x108;
	s8 =	sld [smem:$0x3FAF]  }
0x2e: {  	s3 =	simm.s32 @!p0 $0x1082;
	s9 =	sld [smem:$0x3FB0]  }
0x2f: {  	lr =	sadd.s32 s0, s3;
	s0 =	sld [smem:$0x3FA7]  }
0x30: {  	s3 =	sld [smem:$0x3FAA]  }
0x31: {  	[smem:$0x3FB3] =	sst s10  }
0x32: {  	s10 =	sld [smem:$0x3FB1];
	_ =	sdelay $0x3  }
0x33: {  	p0 =	seq.s32 s10, $0x1;
	s10 =	sld [smem:$0x3FB3];
	_ =	sdelay $0x3  }
0x34: {  	[smem:$0x3FB3] =	sst s10  }
0x35: {  	s10 =	sld [smem:$0x3FB2];
	_ =	sdelay $0x3  }
0x36: {  	p1 =	seq.s32 s10, $0x1;
	s10 =	sld [smem:$0x3FB3];
	_ =	sdelay $0x3  }
0x37: {  	[smem:$0x3FB3] =	sst s10  }
0x38: {  	s10 =	sld [smem:$0x3FB4]  }
0x39: {  	_ = 	snop;
	(pc) =	sbr.ind lr, $3  }
0x3a: {  	_ = 	snop  }
0x3b: {  	_ = 	snop  }
0x3c: {  	p2 =	seq.s32 s10, $0x1;
	s10 =	sld [smem:$0x3FB3]  }
0x3d: {  	_ =	shalt  }
0x3e: {  	_ =	shalt  }
0x3f: {  	_ =	shalt  }
0x40: {  	_ =	shalt  }
0x41: {  	_ =	shalt  }
0x42: {  	_ =	shalt  }
0x43: {  	_ =	shalt  }
0x44: {  	_ =	shalt  }
0x45: {  	_ =	shalt  }
0x46: {  	_ =	shalt  }
0x47: {  	_ =	shalt  }
0x48: {  	_ =	shalt  }
0x49: {  	_ =	shalt  }
0x4a: {  	_ =	shalt  }
0x4b: {  	_ =	shalt  }
0x4c: {  	_ =	shalt  }
0x4d: {  	_ =	shalt  }
0x4e: {  	_ =	shalt  }
0x4f: {  	_ =	shalt  }
0x50: {  	_ =	shalt  }
0x51: {  	_ =	shalt  }
0x52: {  	_ =	shalt  }
0x53: {  	_ =	shalt  }
0x54: {  	_ =	shalt  }
0x55: {  	_ =	shalt  }
0x56: {  	_ =	shalt  }
0x57: {  	_ =	shalt  }
0x58: {  	_ =	shalt  }
0x59: {  	_ =	shalt  }
0x5a: {  	_ =	shalt  }
0x5b: {  	_ =	shalt  }
0x5c: {  	_ =	shalt  }
0x5d: {  	_ =	shalt  }
0x5e: {  	_ =	shalt  }
0x5f: {  	_ =	shalt  }
0x60: {  	_ =	shalt  }
0x61: {  	_ =	shalt  }
0x62: {  	_ =	shalt  }
0x63: {  	_ =	shalt  }
0x64: {  	_ =	shalt  }
0x65: {  	_ =	shalt  }
0x66: {  	_ =	shalt  }
0x67: {  	_ =	shalt  }
0x68: {  	_ =	shalt  }
0x69: {  	_ =	shalt  }
0x6a: {  	_ =	shalt  }
0x6b: {  	_ =	shalt  }
0x6c: {  	_ =	shalt  }
0x6d: {  	_ =	shalt  }
0x6e: {  	_ =	shalt  }
0x6f: {  	_ =	shalt  }
0x70: {  	_ =	shalt  }
0x71: {  	_ =	shalt  }
0x72: {  	_ =	shalt  }
0x73: {  	_ =	shalt  }
0x74: {  	_ =	shalt  }
0x75: {  	_ =	shalt  }
0x76: {  	_ =	shalt  }
0x77: {  	_ =	shalt  }
0x78: {  	_ =	shalt  }
0x79: {  	_ =	shalt  }
0x7a: {  	_ =	shalt  }
0x7b: {  	_ =	shalt  }
0x7c: {  	_ =	shalt  }
0x7d: {  	_ =	shalt  }
0x7e: {  	_ =	shalt  }
0x7f: {  	_ =	shalt  }
0x80: {  	_ =	shalt  }
0x81: {  	_ =	shalt  }
0x82: {  	_ =	shalt  }
0x83: {  	_ =	shalt  }
0x84: {  	_ =	shalt  }
0x85: {  	_ =	shalt  }
0x86: {  	_ =	shalt  }
0x87: {  	_ =	shalt  }
.Lfunc_end0:
.L_simem_size_0:
called_computation_lowered:
.L_overlay_start_0:
0x88: {  	s2 =	sld [smem:$0x3FD9]  }
0x89: {  	s3 =	sld [smem:$0x3FFE];
	_ =	sdelay $0x1  }
0x8a: {  	s1 =	srdreg.scid  }
0x8b: {  	s0 =	sand.u32 $0x1, s1  }
0x8c: {  	s16 =	sshll.u32 s0, $0xA;
	s2 =	sadd.s32 s3, s2  }
0x8d: {  	s2 =	sadd.s32 s2, s16  }
0x8e: {  	[smem:$0x3FBF] =	sst s2  }
0x8f: {  	_ = 	snop  }
0x90: {  	(tm) =	ssettm $0x1  }
0x91: {  	s17 =	sld [smem:$0x3FFB];
	_ =	sdelay $0x3  }
0x92: {  	_ =	strace s17  }
0x93: {  	s2 =	sld [smem:$0x3FFC];
	_ =	sdelay $0x3  }
0x94: {  	_ =	strace s2  }
0x95: {  	s2 =	sld [smem:$0x3FFD];
	_ =	sdelay $0x3  }
0x96: {  	_ =	strace s2  }
0x97: {  	_ =	strace $0x8FFFFFFF  }
0x98: {  	s18 =	sld [smem:$0x3FDB];
	_ =	sdelay $0x1  }
0x99: {  	s19 =	simm.s32 $_scs_section_size  }
0x9a: {  	s4 =	simm.s32 $_size__tile_overlayer_lowered;
	s5 =	simm.s32 $_tile_overlayer_lowered  }
0x9b: {  	s22 =	simm.s32 $0x1BFF;
	s21 =	sshll.u32 s5, $0x1;
	s2 =	sadd.s32 s19, s18  }
0x9c: {  	s6 =	simm.s32 $0x0;
	s20 =	sshll.u32 s4, $0x1;
	s4 =	sadd.s32 s21, s2  }
0x9d: {  	[timem:s6], [sflag:s22] =	dma.local [hbm:s4], s20  }
0x9e: {  	_ =	swait.ge [sflag:s22], s20  }
0x9f: {  	s3 =	ssub.s32 $0x0, s20;
	[sflag:s22] =	ssyncset.done $0x0  }
0xa0: {  	[sflag:s22] =	ssyncadd.s32 s3;
	_ =	sdelay $0x1  }
0xa1: {  	s23 =	simm.s32 $0x1B8B  }
0xa2: {  	_ =	swait.ge [sflag:s23], $0x1  }
0xa3: {  	[sflag:s23] =	ssyncset.done $0x0  }
0xa4: {  	s25 =	simm.s32 $0x1B8E;
	s24 =	sld [smem:$0x3FFE];
	[sflag:s23] =	ssyncadd.s32 $0xFFFFFFFF  }
0xa5: {  	s26 =	simm.s32 $execute0_lowered;
	[smem:$0x3FD2] =	sst s25  }
0xa6: {  	s4 =	sshll.u32 s26, $0x1;
	_ =	strace $0x80000046;
	[dreg:$0x1] =	wrdreg $0xFFFFFFFF  }
0xa7: {  	s28 =	simm.s32 $_size_execute0_lowered;
	s2 =	sadd.s32 s2, s4;
	[dreg:$0x0] =	wrdreg $0x0  }
0xa8: {  	s4 =	sshll.u32 s28, $0x1;
	[dreg:$0x2] =	wrdreg s2  }
0xa9: {  	[dreg:$0x3] =	wrdreg s4  }
0xaa: {  	[dreg:$0x4] =	wrdreg $0xC0  }
0xab: {  	_ =	task [dreg:s6], $0x5FFFF  }
0xac: {  	[dreg:$0x1] =	wrdreg $0xFFFFFFFF  }
0xad: {  	[dreg:$0x0] =	wrdreg $0x60  }
0xae: {  	[dreg:$0x2] =	wrdreg s24  }
0xaf: {  	[dreg:$0x3] =	wrdreg $0xB7800  }
0xb0: {  	[dreg:$0x4] =	wrdreg $0x9  }
0xb1: {  	_ =	task.clear_ibuf [dreg:s6], $0x5FFFF;
	_ =	strace $0x90000046  }
0xb2: {  	s29 =	simm.s32 $0x9;
	_ =	strace $0x80000048  }
0xb3: {  	_ =	swait.ge [sflag:s29], $0x1  }
0xb4: {  	[sflag:s29] =	ssyncadd.s32 $0xFFFFFFFF  }
0xb5: {  	_ =	strace $0x90000048  }
0xb6: {  	_ =	sfence  }
0xb7: {  	s30 =	sld [smem:$0x0];
	_ =	sdelay $0x2  }
0xb8: {  	s31 =	sshll.u32 s1, $0xD;
	s1 =	sshrl.u32 s1, $0x2  }
0xb9: {  	s3 =	sand.u32 $0x4000, s31;
	s1 =	sadd.s32 s1, s30  }
0xba: {  	s0 =	sor.u32 s3, s0;
	s1 =	sshll.u32 s1, $0x11  }
0xbb: {  	s0 =	sor.u32 s1, s0  }
0xbc: {  	s0 =	sadd.s32 $0x8F2B, s0  }
0xbd: {  	[sflag:s0] =	ssyncadd.remote.s32 $0x1  }
0xbe: {  	_ =	sfence.sel $0xFFFF  }
0xbf: {  	[dreg:$0x0] =	wrdreg $0xFFFFFFFF;
	(pc) =	sbr.abs _section_cstart, $3  }
0xc0: {  	[dreg:$0x1] =	wrdreg $0xFFFFFFFF  }
0xc1: {  	_ =	task.clear_ibuf [dreg:s6], $0x2FFFF;
	_ =	strace $0x9FFFFFFF  }
0xc2: {  	(tm) =	ssettm $0x7FFFFFFF  }
0xc3: {  	_ =	shalt  }
tec
execute0_lowered:
.L_overlay_start_1:
0x0: {  	(tag) =	ssettag $0x1  }
0x1: {  	s1 =	srdreg.scid;
	s7 =	rddreg [dreg:$0x0]  }
0x2: {  	s0 =	stileid.u32;
	s2 =	rddreg [dreg:$0x1]  }
0x3: {  	s3 =	simm.s32 $0x0;
	s16 =	simm.s32 $0x2800;
	s17 =	simm.s32 $0x80  }
0x4: {  	s18 =	simm.s32 $0x5000;
	s19 =	simm.s32 $0x1;
	s20 =	simm.s32 $0x0  }
0x5: {  	s6 =	sand.u32 $0x1, s1;
	s1 =	rddreg [dreg:$0x2];
	s9 =	smul.u32 $0x13C00, s0  }
0x6: {  	s24 =	sshll.u32 s0, $0x1;
	[smem:$0x7FF] =	sst s3;
	s12 =	smul.u32 $0x4F000, s0  }
0x7: {  	s4 =	sadd.s32 $0x17000, s7;
	s5 =	sor.u32 s6, s24;
	s10 =	smul.u32 $0x13C000, s6  }
0x8: {  	s31 =	sshll.u32 s0, $0x6;
	_ =	strace $0x80000047;
	s8 =	smul.u32 $0x500, s5  }
0x9: {  	s6 =	ssub.s32 $0x2, s6;
	s25 =	sshrl.u32 s9, $0x3;
	s26 =	smul.u32 $0x4F0, s5  }
0xa: {  	s5 =	sadd.s32 $0x3E800, s7;
	s28 =	sshrl.u32 s6, $0x1;
	s29 =	sshrl.u32 s12, $0x2  }
0xb: {  	s9 =	sadd.s32 s9, s10;
	s30 =	ssub.s32 s6, s28;
	s15 =	sadd.s32 s29, s2  }
0xc: {  	s11 =	sadd.s32 s8, s7;
	s8 =	sadd.s32 s25, s7;
	s9 =	sshrl.u32 s9, $0x3  }
0xd: {  	s14 =	sadd.s32 s26, s7;
	s12 =	smax.u32 s30, $0x1;
	s13 =	sadd.s32 s9, s7  }
0xe: {  	s6 =	sadd.s32 $0x3EE00, s8;
	s7 =	sor.u32 $0x1C02, s31;
	s8 =	sadd.s32 $0xD000, s11  }
0xf: {  	s9 =	sadd.s32 $0x3000, s11;
	s11 =	sadd.s32 $0xB5600, s14;
	s14 =	simm.s32 $0x2  }
0x10: {  	v0 =	vimm.f32 $1.000000000e+00;
	s10 =	sadd.s32 $0x66600, s13;
	s13 =	sshrl.u32 s15, $0x3;
	s15 =	simm.s32 $0x9000  }
.LBB2_1:
0x11: {  	[spmem:s13], [sflag:s7] =	dma.local [hbm:s6], $0x2780  }
0x12: {  	_ =	swait.ge [sflag:s14], $0x2780  }
0x13: {  	[sflag:s14] =	ssyncset.done $0x0  }
0x14: {  	[sflag:s14] =	ssyncadd.s32 $0xFFFFD880  }
0x15: {  	[tilespmem:s15], [sflag:$0x2] =	stream.linear.gather [hbm4b:s5+s3], $0x2780, $0x38;
	[tilespmem:$0x1F380] =	vst v63  }
0x16: {  	_ =	swait.ge [sflag:s14], $0x2780  }
0x17: {  	[sflag:s14] =	ssyncset.done $0x0  }
0x18: {  	[sflag:s14] =	ssyncadd.s32 $0xFFFFD880  }
0x19: {  	[tilespmem:s3], [sflag:$0x2] =	stream.linear.gather [hbm4b:s8+s3], $0x2780, $0x38;
	[tilespmem:$0x1F380] =	vst v63  }
0x1a: {  	_ =	swait.ge [sflag:s14], $0x2780  }
0x1b: {  	[sflag:s14] =	ssyncset.done $0x0  }
0x1c: {  	[sflag:s14] =	ssyncadd.s32 $0xFFFFD880  }
0x1d: {  	[tilespmem:s16], [sflag:$0x2] =	stream.linear.gather [hbm4b:s9+s3], $0x2780, $0x38;
	[tilespmem:$0x1F380] =	vst v63  }
0x1e: {  	_ =	swait.ge [sflag:s14], $0x2780  }
0x1f: {  	[sflag:s14] =	ssyncset.done $0x0  }
0x20: {  	[sflag:s14] =	ssyncadd.s32 $0xFFFFD880  }
0x21: {  	s21 =	simm.s32 $0x0;
	[bflag:$0x0] =	sbarrier.arrive $0xFFFF  }
.LBB2_2:
0x22: {  	s22 =	sshra.s32 s21, $0x2  }
0x23: {  	[tilespmem:s18], [sflag:$0x1] =	stream.indirect.gather [hbm4b:s4+s17], $0x80, s22, s17, $0xb8;
	[tilespmem:$0x1F380] =	vst v63  }
0x24: {  	_ =	swait.ge [sflag:s19], $0x4000  }
0x25: {  	[sflag:s19] =	ssyncset.done $0x0  }
0x26: {  	s23 =	sadd.s32 $0x2800, s22;
	[sflag:s19] =	ssyncadd.s32 $0xFFFFC000  }
0x27: {  	[spmem:s2] =	stream.indirect.scatter.add.f32 [tilespmem:s18], [sflag:$0x2], $0x80, s23, s17, $0xb8;
	[tilespmem:$0x1F380] =	vst v63  }
0x28: {  	_ =	swait.ge [sflag:s14], $0x4000  }
0x29: {  	[sflag:s14] =	ssyncset.done $0x0  }
0x2a: {  	[sflag:s14] =	ssyncadd.s32 $0xFFFFC000  }
0x2b: {  	v1 =	vld [tilespmem:s22+$0x2800];
	_ =	sdelay $0x7  }
0x2c: {  	[tilespmem:v1+s15+$0x0] =	vst.idx.add.f32.msk $0xffff, v0  }
0x2d: {  	v1 =	vld [tilespmem:s22+$0x2810];
	_ =	sdelay $0x7  }
0x2e: {  	[tilespmem:v1+s15+$0x0] =	vst.idx.add.f32.msk $0xffff, v0  }
0x2f: {  	v1 =	vld [tilespmem:s22+$0x2820];
	_ =	sdelay $0x7  }
0x30: {  	[tilespmem:v1+s15+$0x0] =	vst.idx.add.f32.msk $0xffff, v0  }
0x31: {  	v1 =	vld [tilespmem:s22+$0x2830];
	_ =	sdelay $0x7  }
0x32: {  	[tilespmem:v1+s15+$0x0] =	vst.idx.add.f32.msk $0xffff, v0  }
0x33: {  	v1 =	vld [tilespmem:s22+$0x2840];
	_ =	sdelay $0x7  }
0x34: {  	[tilespmem:v1+s15+$0x0] =	vst.idx.add.f32.msk $0xffff, v0  }
0x35: {  	v1 =	vld [tilespmem:s22+$0x2850];
	_ =	sdelay $0x7  }
0x36: {  	[tilespmem:v1+s15+$0x0] =	vst.idx.add.f32.msk $0xffff, v0  }
0x37: {  	v1 =	vld [tilespmem:s22+$0x2860];
	_ =	sdelay $0x7  }
0x38: {  	[tilespmem:v1+s15+$0x0] =	vst.idx.add.f32.msk $0xffff, v0  }
0x39: {  	v1 =	vld [tilespmem:s22+$0x2870];
	_ =	sdelay $0x2  }
0x3a: {  	p0 =	sne.s32 s21, $0x9C00  }
.Ltmp0:
0x3b: {  	_ = 	snop;
	(pc) =	sbr.rel @p0 .LBB2_2-.Ltmp0, $2  }
0x3c: {  	_ =	sdelay $0x2  }
0x3d: {  	s21 =	sadd.s32 $0x200, s21;
	[tilespmem:v1+s15+$0x0] =	vst.idx.add.f32.msk $0xffff, v0  }
0x3e: {  	[bflag:$0x0] =	sbarrier.arrive $0xFFFF  }
0x3f: {  	[hbm:s10], [sflag:s7] =	dma.local [spmem:s13], $0x2780  }
0x40: {  	s20 =	sadd.s32 $0x1, s20;
	_ =	swait.ge [sflag:s14], $0x2780  }
0x41: {  	p0 =	sne.s32 s20, s12;
	[sflag:s14] =	ssyncset.done $0x0  }
.Ltmp1:
0x42: {  	[sflag:s14] =	ssyncadd.s32 $0xFFFFD880;
	(pc) =	sbr.rel @p0 .LBB2_1-.Ltmp1, $4  }
0x43: {  	[hbm4b:s11+s3] =	stream.linear.scatter [tilespmem:s15], [sflag:$0x2], $0x2780, $0x38;
	[tilespmem:$0x1F380] =	vst v63  }
0x44: {  	_ =	swait.ge [sflag:s14], $0x2780  }
0x45: {  	[sflag:s14] =	ssyncset.done $0x0  }
0x46: {  	[sflag:s14] =	ssyncadd.s32 $0xFFFFD880  }
0x47: {  	_ =	sfence.sel $0x180000  }
0x48: {  	[bflag:$0x0] =	sbarrier.arrive $0xFFFF  }
0x49: {  	p0 =	sne.s32 s0, $0x0;
	_ =	strace $0x90000047  }
0x4a: {  	s0 =	sadd.s32 @!p0 $0x100000, s1;
	[bflag:$0x2] =	sbarrier.arrive $0xFFFF  }
0x4b: {  	[sflag:s0] =	ssyncadd.tile.s32 @!p0 $0x1;
	_ =	shalt  }
.Lfunc_end2:
_tile_overlayer_lowered:
.L_overlay_start_2:
0x4c: {  	(tag) =	ssettag $0x2  }
0x4d: {  	s0 =	rddreg [dreg:$0x0];
	s2 =	stileid.u32  }
0x4e: {  	s1 =	rddreg [dreg:$0x1];
	p0 =	sne.s32 s2, $0x0  }
0x4f: {  	s3 =	rddreg [dreg:$0x2];
	[bflag:$0x3] =	sbarrier.arrive $0xFFFF;
	s2 =	simm.s32 @!p0 $0x1C02  }
0x50: {  	[timem:s3], [sflag:s2] =	dma.local @!p0 [hbm:s0], s1  }
0x51: {  	s0 =	simm.s32 @!p0 $0x2  }
0x52: {  	_ =	swait.ge @!p0 [sflag:s0], s1  }
0x53: {  	s1 =	ssub.s32 @!p0 $0x0, s1;
	[sflag:s0] =	ssyncset.done @!p0 $0x0  }
0x54: {  	[sflag:s0] =	ssyncadd.s32 @!p0 s1  }
0x55: {  	[bflag:$0x3] =	sbarrier.arrive $0xFFFF  }
0x56: {  	_ =	shalt  }

// kernel: kernel.9.cloned.1.call-start
scs
__scs_entry_jumppad:
0x0: {  	(pc) =	sbr.rel $0x88, $3  }
0x1: {  	(tag) =	ssettag $0x0;
	lr =	simm.s32 $0x1  }
0x2: {  	[smem:$0x3F98] =	sst lr;
	_ =	strace $0xD0000000  }
0x3: {  	_ = 	snop  }
0x4: {  	_ = 	snop  }
0x5: {  	_ = 	snop  }
0x6: {  	_ = 	snop  }
0x7: {  	_ = 	snop  }
__scs_overlays_trampoline_lowered:
0x8: {  	[smem:$0x3FA7] =	sst s0  }
0x9: {  	[smem:$0x3FA8] =	sst s1  }
0xa: {  	[smem:$0x3FA9] =	sst s2  }
0xb: {  	[smem:$0x3FAA] =	sst s3  }
0xc: {  	[smem:$0x3FAB] =	sst s4  }
0xd: {  	[smem:$0x3FAC] =	sst s5  }
0xe: {  	[smem:$0x3FAD] =	sst s6  }
0xf: {  	[smem:$0x3FAE] =	sst s7  }
0x10: {  	[smem:$0x3FAF] =	sst s8  }
0x11: {  	[smem:$0x3FB0] =	sst s9;
	s0 =	simm.s32 @!p0 $0x0  }
0x12: {  	s1 =	sld [smem:$0x3F96];
	s0 =	simm.s32 @p0 $0x1  }
0x13: {  	[smem:$0x3FB1] =	sst s0;
	s0 =	simm.s32 @!p1 $0x0  }
0x14: {  	s2 =	sld [smem:$0x3F95];
	s0 =	simm.s32 @p1 $0x1  }
0x15: {  	[smem:$0x3FB2] =	sst s0;
	s0 =	simm.s32 @!p2 $0x0  }
0x16: {  	s3 =	sld [smem:$0x3FDB];
	s0 =	simm.s32 @p2 $0x1  }
0x17: {  	s4 =	simm.s32 $0x1BF5;
	[smem:$0x3FB4] =	sst s0  }
0x18: {  	s0 =	sld [smem:$0x3F97];
	_ =	swait.ge [sflag:s4], $0x0  }
0x19: {  	s7 =	sld [smem:$0x3F98]  }
0x1a: {  	s8 =	sadd.s32 $0xFFFFE003, lr  }
0x1b: {  	s9 =	sadd.s32 $0xFFFFFEF7, lr;
	s5 =	simm.s32 $0xFFFFFFFF;
	p2 =	slt.u32 s8, $0xFFFFF086  }
0x1c: {  	p1 =	slt.u32 s9, $0xF7A;
	s5 =	simm.s32 @!p2 $0x0  }
0x1d: {  	s5 =	simm.s32 @p1 $0x1;
	p0 =	seq.s32 s7, s2  }
0x1e: {  	s7 =	smul.u32 @!p0 $0xF7A, s2;
	p2 =	seq.s32 @!p0 s5, $0x0  }
0x1f: {  	s9 =	smul.u32 $0xF7A, s1;
	s8 =	simm.s32 @!p0 $0x1BF5;
	p2 =	por !p2, p0  }
0x20: {  	[sflag:s8] =	ssyncset.s32 @!p0 $0xFFFFF086;
	s6 =	sadd.s32 @!p0 s3, s7;
	s7 =	simm.s32 @!p0 $0x108  }
0x21: {  	s3 =	sadd.s32 s3, s9;
	s6 =	sadd.s32 @!p0 $0x88, s6;
	s7 =	simm.s32 @p2 $0x1082  }
0x22: {  	[simem:s7], [sflag:s8] =	dma.local @!p0 [hbm:s6], $0xF7A  }
0x23: {  	s9 =	sor.u32 $0xD0000000, s2;
	s6 =	simm.s32 $0x108;
	_ =	swait.ge @!p0 [sflag:s8], $0x0  }
0x24: {  	s3 =	sadd.s32 $0x88, s3;
	s6 =	simm.s32 @!p1 $0x1082;
	[sflag:s4] =	ssyncset.s32 $0xFFFFF086  }
0x25: {  	[simem:s6], [sflag:s4] =	dma.local [hbm:s3], $0xF7A  }
0x26: {  	[smem:$0x3F98] =	sst s1;
	(tag) =	ssettag s2;
	_ =	strace s9  }
0x27: {  	s1 =	sld [smem:$0x3FA8]  }
0x28: {  	s2 =	sld [smem:$0x3FA9]  }
0x29: {  	s4 =	sld [smem:$0x3FAB]  }
0x2a: {  	p0 =	seq.s32 s5, $0x0;
	s5 =	sld [smem:$0x3FAC]  }
0x2b: {  	s6 =	sld [smem:$0x3FAD]  }
0x2c: {  	s7 =	sld [smem:$0x3FAE]  }
0x2d: {  	s3 =	simm.s32 $0x108;
	s8 =	sld [smem:$0x3FAF]  }
0x2e: {  	s3 =	simm.s32 @!p0 $0x1082;
	s9 =	sld [smem:$0x3FB0]  }
0x2f: {  	lr =	sadd.s32 s0, s3;
	s0 =	sld [smem:$0x3FA7]  }
0x30: {  	s3 =	sld [smem:$0x3FAA]  }
0x31: {  	[smem:$0x3FB3] =	sst s10  }
0x32: {  	s10 =	sld [smem:$0x3FB1];
	_ =	sdelay $0x3  }
0x33: {  	p0 =	seq.s32 s10, $0x1;
	s10 =	sld [smem:$0x3FB3];
	_ =	sdelay $0x3  }
0x34: {  	[smem:$0x3FB3] =	sst s10  }
0x35: {  	s10 =	sld [smem:$0x3FB2];
	_ =	sdelay $0x3  }
0x36: {  	p1 =	seq.s32 s10, $0x1;
	s10 =	sld [smem:$0x3FB3];
	_ =	sdelay $0x3  }
0x37: {  	[smem:$0x3FB3] =	sst s10  }
0x38: {  	s10 =	sld [smem:$0x3FB4]  }
0x39: {  	_ = 	snop;
	(pc) =	sbr.ind lr, $3  }
0x3a: {  	_ = 	snop  }
0x3b: {  	_ = 	snop  }
0x3c: {  	p2 =	seq.s32 s10, $0x1;
	s10 =	sld [smem:$0x3FB3]  }
0x3d: {  	_ =	shalt  }
0x3e: {  	_ =	shalt  }
0x3f: {  	_ =	shalt  }
0x40: {  	_ =	shalt  }
0x41: {  	_ =	shalt  }
0x42: {  	_ =	shalt  }
0x43: {  	_ =	shalt  }
0x44: {  	_ =	shalt  }
0x45: {  	_ =	shalt  }
0x46: {  	_ =	shalt  }
0x47: {  	_ =	shalt  }
0x48: {  	_ =	shalt  }
0x49: {  	_ =	shalt  }
0x4a: {  	_ =	shalt  }
0x4b: {  	_ =	shalt  }
0x4c: {  	_ =	shalt  }
0x4d: {  	_ =	shalt  }
0x4e: {  	_ =	shalt  }
0x4f: {  	_ =	shalt  }
0x50: {  	_ =	shalt  }
0x51: {  	_ =	shalt  }
0x52: {  	_ =	shalt  }
0x53: {  	_ =	shalt  }
0x54: {  	_ =	shalt  }
0x55: {  	_ =	shalt  }
0x56: {  	_ =	shalt  }
0x57: {  	_ =	shalt  }
0x58: {  	_ =	shalt  }
0x59: {  	_ =	shalt  }
0x5a: {  	_ =	shalt  }
0x5b: {  	_ =	shalt  }
0x5c: {  	_ =	shalt  }
0x5d: {  	_ =	shalt  }
0x5e: {  	_ =	shalt  }
0x5f: {  	_ =	shalt  }
0x60: {  	_ =	shalt  }
0x61: {  	_ =	shalt  }
0x62: {  	_ =	shalt  }
0x63: {  	_ =	shalt  }
0x64: {  	_ =	shalt  }
0x65: {  	_ =	shalt  }
0x66: {  	_ =	shalt  }
0x67: {  	_ =	shalt  }
0x68: {  	_ =	shalt  }
0x69: {  	_ =	shalt  }
0x6a: {  	_ =	shalt  }
0x6b: {  	_ =	shalt  }
0x6c: {  	_ =	shalt  }
0x6d: {  	_ =	shalt  }
0x6e: {  	_ =	shalt  }
0x6f: {  	_ =	shalt  }
0x70: {  	_ =	shalt  }
0x71: {  	_ =	shalt  }
0x72: {  	_ =	shalt  }
0x73: {  	_ =	shalt  }
0x74: {  	_ =	shalt  }
0x75: {  	_ =	shalt  }
0x76: {  	_ =	shalt  }
0x77: {  	_ =	shalt  }
0x78: {  	_ =	shalt  }
0x79: {  	_ =	shalt  }
0x7a: {  	_ =	shalt  }
0x7b: {  	_ =	shalt  }
0x7c: {  	_ =	shalt  }
0x7d: {  	_ =	shalt  }
0x7e: {  	_ =	shalt  }
0x7f: {  	_ =	shalt  }
0x80: {  	_ =	shalt  }
0x81: {  	_ =	shalt  }
0x82: {  	_ =	shalt  }
0x83: {  	_ =	shalt  }
0x84: {  	_ =	shalt  }
0x85: {  	_ =	shalt  }
0x86: {  	_ =	shalt  }
0x87: {  	_ =	shalt  }
.Lfunc_end0:
.L_simem_size_0:
called_computation.1_lowered:
.L_overlay_start_0:
0x88: {  	s2 =	sld [smem:$0x3FD9]  }
0x89: {  	s3 =	sld [smem:$0x3FFE];
	_ =	sdelay $0x1  }
0x8a: {  	s1 =	srdreg.scid  }
0x8b: {  	s0 =	sand.u32 $0x1, s1  }
0x8c: {  	s16 =	sshll.u32 s0, $0xA;
	s2 =	sadd.s32 s3, s2  }
0x8d: {  	s2 =	sadd.s32 s2, s16  }
0x8e: {  	[smem:$0x3FBF] =	sst s2  }
0x8f: {  	_ = 	snop  }
0x90: {  	(tm) =	ssettm $0x1  }
0x91: {  	s17 =	sld [smem:$0x3FFB];
	_ =	sdelay $0x3  }
0x92: {  	_ =	strace s17  }
0x93: {  	s2 =	sld [smem:$0x3FFC];
	_ =	sdelay $0x3  }
0x94: {  	_ =	strace s2  }
0x95: {  	s2 =	sld [smem:$0x3FFD];
	_ =	sdelay $0x3  }
0x96: {  	_ =	strace s2  }
0x97: {  	_ =	strace $0x8FFFFFFF  }
0x98: {  	s18 =	sld [smem:$0x3FDB];
	_ =	sdelay $0x1  }
0x99: {  	s19 =	simm.s32 $_scs_section_size  }
0x9a: {  	s4 =	simm.s32 $_size__tile_overlayer_lowered;
	s5 =	simm.s32 $_tile_overlayer_lowered  }
0x9b: {  	s22 =	simm.s32 $0x1BFF;
	s21 =	sshll.u32 s5, $0x1;
	s2 =	sadd.s32 s19, s18  }
0x9c: {  	s6 =	simm.s32 $0x0;
	s20 =	sshll.u32 s4, $0x1;
	s4 =	sadd.s32 s21, s2  }
0x9d: {  	[timem:s6], [sflag:s22] =	dma.local [hbm:s4], s20  }
0x9e: {  	_ =	swait.ge [sflag:s22], s20  }
0x9f: {  	s3 =	ssub.s32 $0x0, s20;
	[sflag:s22] =	ssyncset.done $0x0  }
0xa0: {  	[sflag:s22] =	ssyncadd.s32 s3;
	_ =	sdelay $0x1  }
0xa1: {  	s23 =	simm.s32 $0x1B8B  }
0xa2: {  	_ =	swait.ge [sflag:s23], $0x1  }
0xa3: {  	[sflag:s23] =	ssyncset.done $0x0  }
0xa4: {  	s25 =	simm.s32 $0x1B8E;
	s24 =	sld [smem:$0x3FFE];
	[sflag:s23] =	ssyncadd.s32 $0xFFFFFFFF  }
0xa5: {  	s26 =	simm.s32 $execute0_lowered;
	[smem:$0x3FD2] =	sst s25  }
0xa6: {  	s4 =	sshll.u32 s26, $0x1;
	_ =	strace $0x80000049;
	[dreg:$0x1] =	wrdreg $0xFFFFFFFF  }
0xa7: {  	s28 =	simm.s32 $_size_execute0_lowered;
	s2 =	sadd.s32 s2, s4;
	[dreg:$0x0] =	wrdreg $0x0  }
0xa8: {  	s4 =	sshll.u32 s28, $0x1;
	[dreg:$0x2] =	wrdreg s2  }
0xa9: {  	[dreg:$0x3] =	wrdreg s4  }
0xaa: {  	[dreg:$0x4] =	wrdreg $0xC0  }
0xab: {  	_ =	task [dreg:s6], $0x5FFFF  }
0xac: {  	[dreg:$0x1] =	wrdreg $0xFFFFFFFF  }
0xad: {  	[dreg:$0x0] =	wrdreg $0x60  }
0xae: {  	[dreg:$0x2] =	wrdreg s24  }
0xaf: {  	[dreg:$0x3] =	wrdreg $0xB7800  }
0xb0: {  	[dreg:$0x4] =	wrdreg $0x9  }
0xb1: {  	_ =	task.clear_ibuf [dreg:s6], $0x5FFFF;
	_ =	strace $0x90000049  }
0xb2: {  	s29 =	simm.s32 $0x9;
	_ =	strace $0x8000004B  }
0xb3: {  	_ =	swait.ge [sflag:s29], $0x1  }
0xb4: {  	[sflag:s29] =	ssyncadd.s32 $0xFFFFFFFF  }
0xb5: {  	_ =	strace $0x9000004B  }
0xb6: {  	_ =	sfence  }
0xb7: {  	s30 =	sld [smem:$0x0];
	_ =	sdelay $0x2  }
0xb8: {  	s31 =	sshll.u32 s1, $0xD;
	s1 =	sshrl.u32 s1, $0x2  }
0xb9: {  	s3 =	sand.u32 $0x4000, s31;
	s1 =	sadd.s32 s1, s30  }
0xba: {  	s0 =	sor.u32 s3, s0;
	s1 =	sshll.u32 s1, $0x11  }
0xbb: {  	s0 =	sor.u32 s1, s0  }
0xbc: {  	s0 =	sadd.s32 $0x8F2B, s0  }
0xbd: {  	[sflag:s0] =	ssyncadd.remote.s32 $0x1  }
0xbe: {  	_ =	sfence.sel $0xFFFF  }
0xbf: {  	[dreg:$0x0] =	wrdreg $0xFFFFFFFF;
	(pc) =	sbr.abs _section_cstart, $3  }
0xc0: {  	[dreg:$0x1] =	wrdreg $0xFFFFFFFF  }
0xc1: {  	_ =	task.clear_ibuf [dreg:s6], $0x2FFFF;
	_ =	strace $0x9FFFFFFF  }
0xc2: {  	(tm) =	ssettm $0x7FFFFFFF  }
0xc3: {  	_ =	shalt  }
tec
execute0_lowered:
.L_overlay_start_1:
0x0: {  	(tag) =	ssettag $0x1  }
0x1: {  	s1 =	srdreg.scid;
	s7 =	rddreg [dreg:$0x0]  }
0x2: {  	s0 =	stileid.u32;
	s2 =	rddreg [dreg:$0x1]  }
0x3: {  	s3 =	simm.s32 $0x0;
	s16 =	simm.s32 $0x2800;
	s17 =	simm.s32 $0x80  }
0x4: {  	s18 =	simm.s32 $0x5000;
	s19 =	simm.s32 $0x1;
	s20 =	simm.s32 $0x0  }
0x5: {  	s6 =	sand.u32 $0x1, s1;
	s1 =	rddreg [dreg:$0x2];
	s9 =	smul.u32 $0x13C00, s0  }
0x6: {  	s24 =	sshll.u32 s0, $0x1;
	[smem:$0x7FF] =	sst s3;
	s12 =	smul.u32 $0x4F000, s0  }
0x7: {  	s4 =	sadd.s32 $0x17000, s7;
	s5 =	sor.u32 s6, s24;
	s10 =	smul.u32 $0x13C000, s6  }
0x8: {  	s31 =	sshll.u32 s0, $0x6;
	_ =	strace $0x8000004A;
	s8 =	smul.u32 $0x500, s5  }
0x9: {  	s6 =	ssub.s32 $0x2, s6;
	s25 =	sshrl.u32 s9, $0x3;
	s26 =	smul.u32 $0x4F0, s5  }
0xa: {  	s5 =	sadd.s32 $0x3E800, s7;
	s28 =	sshrl.u32 s6, $0x1;
	s29 =	sshrl.u32 s12, $0x2  }
0xb: {  	s9 =	sadd.s32 s9, s10;
	s30 =	ssub.s32 s6, s28;
	s15 =	sadd.s32 s29, s2  }
0xc: {  	s11 =	sadd.s32 s8, s7;
	s8 =	sadd.s32 s25, s7;
	s9 =	sshrl.u32 s9, $0x3  }
0xd: {  	s14 =	sadd.s32 s26, s7;
	s12 =	smax.u32 s30, $0x1;
	s13 =	sadd.s32 s9, s7  }
0xe: {  	s6 =	sadd.s32 $0x3EE00, s8;
	s7 =	sor.u32 $0x1C02, s31;
	s8 =	sadd.s32 $0xD000, s11  }
0xf: {  	s9 =	sadd.s32 $0x3000, s11;
	s11 =	sadd.s32 $0x66600, s14;
	s14 =	simm.s32 $0x2  }
0x10: {  	v0 =	vimm.f32 $1.000000000e+00;
	s10 =	sadd.s32 $0x70400, s13;
	s13 =	sshrl.u32 s15, $0x3;
	s15 =	simm.s32 $0x9000  }
.LBB2_1:
0x11: {  	[spmem:s13], [sflag:s7] =	dma.local [hbm:s6], $0x2780  }
0x12: {  	_ =	swait.ge [sflag:s14], $0x2780  }
0x13: {  	[sflag:s14] =	ssyncset.done $0x0  }
0x14: {  	[sflag:s14] =	ssyncadd.s32 $0xFFFFD880  }
0x15: {  	[tilespmem:s15], [sflag:$0x2] =	stream.linear.gather [hbm4b:s5+s3], $0x2780, $0x38;
	[tilespmem:$0x1F380] =	vst v63  }
0x16: {  	_ =	swait.ge [sflag:s14], $0x2780  }
0x17: {  	[sflag:s14] =	ssyncset.done $0x0  }
0x18: {  	[sflag:s14] =	ssyncadd.s32 $0xFFFFD880  }
0x19: {  	[tilespmem:s3], [sflag:$0x2] =	stream.linear.gather [hbm4b:s8+s3], $0x2780, $0x38;
	[tilespmem:$0x1F380] =	vst v63  }
0x1a: {  	_ =	swait.ge [sflag:s14], $0x2780  }
0x1b: {  	[sflag:s14] =	ssyncset.done $0x0  }
0x1c: {  	[sflag:s14] =	ssyncadd.s32 $0xFFFFD880  }
0x1d: {  	[tilespmem:s16], [sflag:$0x2] =	stream.linear.gather [hbm4b:s9+s3], $0x2780, $0x38;
	[tilespmem:$0x1F380] =	vst v63  }
0x1e: {  	_ =	swait.ge [sflag:s14], $0x2780  }
0x1f: {  	[sflag:s14] =	ssyncset.done $0x0  }
0x20: {  	[sflag:s14] =	ssyncadd.s32 $0xFFFFD880  }
0x21: {  	s21 =	simm.s32 $0x0;
	[bflag:$0x0] =	sbarrier.arrive $0xFFFF  }
.LBB2_2:
0x22: {  	s22 =	sshra.s32 s21, $0x2  }
0x23: {  	[tilespmem:s18], [sflag:$0x1] =	stream.indirect.gather [hbm4b:s4+s17], $0x80, s22, s17, $0xb8;
	[tilespmem:$0x1F380] =	vst v63  }
0x24: {  	_ =	swait.ge [sflag:s19], $0x4000  }
0x25: {  	[sflag:s19] =	ssyncset.done $0x0  }
0x26: {  	s23 =	sadd.s32 $0x2800, s22;
	[sflag:s19] =	ssyncadd.s32 $0xFFFFC000  }
0x27: {  	[spmem:s2] =	stream.indirect.scatter.add.f32 [tilespmem:s18], [sflag:$0x2], $0x80, s23, s17, $0xb8;
	[tilespmem:$0x1F380] =	vst v63  }
0x28: {  	_ =	swait.ge [sflag:s14], $0x4000  }
0x29: {  	[sflag:s14] =	ssyncset.done $0x0  }
0x2a: {  	[sflag:s14] =	ssyncadd.s32 $0xFFFFC000  }
0x2b: {  	v1 =	vld [tilespmem:s22+$0x2800];
	_ =	sdelay $0x7  }
0x2c: {  	[tilespmem:v1+s15+$0x0] =	vst.idx.add.f32.msk $0xffff, v0  }
0x2d: {  	v1 =	vld [tilespmem:s22+$0x2810];
	_ =	sdelay $0x7  }
0x2e: {  	[tilespmem:v1+s15+$0x0] =	vst.idx.add.f32.msk $0xffff, v0  }
0x2f: {  	v1 =	vld [tilespmem:s22+$0x2820];
	_ =	sdelay $0x7  }
0x30: {  	[tilespmem:v1+s15+$0x0] =	vst.idx.add.f32.msk $0xffff, v0  }
0x31: {  	v1 =	vld [tilespmem:s22+$0x2830];
	_ =	sdelay $0x7  }
0x32: {  	[tilespmem:v1+s15+$0x0] =	vst.idx.add.f32.msk $0xffff, v0  }
0x33: {  	v1 =	vld [tilespmem:s22+$0x2840];
	_ =	sdelay $0x7  }
0x34: {  	[tilespmem:v1+s15+$0x0] =	vst.idx.add.f32.msk $0xffff, v0  }
0x35: {  	v1 =	vld [tilespmem:s22+$0x2850];
	_ =	sdelay $0x7  }
0x36: {  	[tilespmem:v1+s15+$0x0] =	vst.idx.add.f32.msk $0xffff, v0  }
0x37: {  	v1 =	vld [tilespmem:s22+$0x2860];
	_ =	sdelay $0x7  }
0x38: {  	[tilespmem:v1+s15+$0x0] =	vst.idx.add.f32.msk $0xffff, v0  }
0x39: {  	v1 =	vld [tilespmem:s22+$0x2870];
	_ =	sdelay $0x2  }
0x3a: {  	p0 =	sne.s32 s21, $0x9C00  }
.Ltmp0:
0x3b: {  	_ = 	snop;
	(pc) =	sbr.rel @p0 .LBB2_2-.Ltmp0, $2  }
0x3c: {  	_ =	sdelay $0x2  }
0x3d: {  	s21 =	sadd.s32 $0x200, s21;
	[tilespmem:v1+s15+$0x0] =	vst.idx.add.f32.msk $0xffff, v0  }
0x3e: {  	[bflag:$0x0] =	sbarrier.arrive $0xFFFF  }
0x3f: {  	[hbm:s10], [sflag:s7] =	dma.local [spmem:s13], $0x2780  }
0x40: {  	s20 =	sadd.s32 $0x1, s20;
	_ =	swait.ge [sflag:s14], $0x2780  }
0x41: {  	p0 =	sne.s32 s20, s12;
	[sflag:s14] =	ssyncset.done $0x0  }
.Ltmp1:
0x42: {  	[sflag:s14] =	ssyncadd.s32 $0xFFFFD880;
	(pc) =	sbr.rel @p0 .LBB2_1-.Ltmp1, $4  }
0x43: {  	[hbm4b:s11+s3] =	stream.linear.scatter [tilespmem:s15], [sflag:$0x2], $0x2780, $0x38;
	[tilespmem:$0x1F380] =	vst v63  }
0x44: {  	_ =	swait.ge [sflag:s14], $0x2780  }
0x45: {  	[sflag:s14] =	ssyncset.done $0x0  }
0x46: {  	[sflag:s14] =	ssyncadd.s32 $0xFFFFD880  }
0x47: {  	_ =	sfence.sel $0x180000  }
0x48: {  	[bflag:$0x0] =	sbarrier.arrive $0xFFFF  }
0x49: {  	p0 =	sne.s32 s0, $0x0;
	_ =	strace $0x9000004A  }
0x4a: {  	s0 =	sadd.s32 @!p0 $0x100000, s1;
	[bflag:$0x2] =	sbarrier.arrive $0xFFFF  }
0x4b: {  	[sflag:s0] =	ssyncadd.tile.s32 @!p0 $0x1;
	_ =	shalt  }
.Lfunc_end2:
_tile_overlayer_lowered:
.L_overlay_start_2:
0x4c: {  	(tag) =	ssettag $0x2  }
0x4d: {  	s0 =	rddreg [dreg:$0x0];
	s2 =	stileid.u32  }
0x4e: {  	s1 =	rddreg [dreg:$0x1];
	p0 =	sne.s32 s2, $0x0  }
0x4f: {  	s3 =	rddreg [dreg:$0x2];
	[bflag:$0x3] =	sbarrier.arrive $0xFFFF;
	s2 =	simm.s32 @!p0 $0x1C02  }
0x50: {  	[timem:s3], [sflag:s2] =	dma.local @!p0 [hbm:s0], s1  }
0x51: {  	s0 =	simm.s32 @!p0 $0x2  }
0x52: {  	_ =	swait.ge @!p0 [sflag:s0], s1  }
0x53: {  	s1 =	ssub.s32 @!p0 $0x0, s1;
	[sflag:s0] =	ssyncset.done @!p0 $0x0  }
0x54: {  	[sflag:s0] =	ssyncadd.s32 @!p0 s1  }
0x55: {  	[bflag:$0x3] =	sbarrier.arrive $0xFFFF  }
0x56: {  	_ =	shalt  }

</sc_bundles>
